<compile_context>
chip_gen: v7x
topology: tpu7x:2x2x1
jax: 0.10.2.dev20260603
libtpu: 0.0.44.dev20260713+nightly
codegen_flags: <defaults>
</compile_context>

<pallas_src>
import functools

import jax
import jax.numpy as jnp
from jax import lax
from jax.experimental import pallas as pl
from jax.experimental.pallas import tpu as pltpu
from jax.experimental.pallas import tpu_sc as plsc

NC = 2
NS = 16
NW = NC * NS
LANES = 16
CHUNK = 32
NBUF = 3


def _lse_body(w_ref, lse_ref):
    w = w_ref[...]
    m = jnp.max(w, axis=1, keepdims=True)
    s = jnp.sum(jnp.exp(w - m), axis=1, keepdims=True)
    lse_ref[...] = jnp.log(s) + m


def _loss_body(p_ref, o_ref, *, n_tokens):
    o_ref[...] = jnp.reshape(jnp.sum(p_ref[...]) / n_tokens, (1, 1))


def _tr_body(*refs, nt, boff, nb, aliased):
    if aliased:
        in_hbm, _, out_hbm, ibuf, obuf, isem, osem = refs
    else:
        in_hbm, out_hbm, ibuf, obuf, isem, osem = refs

    def dst(t):
        return out_hbm.at[pl.ds(t, 1), :, pl.ds(boff, nb)]

    def start_in(t, k):
        pltpu.async_copy(in_hbm.at[pl.ds(t * nb, nb), :], ibuf.at[k],
                         isem.at[k])

    start_in(0, 0)

    def body(t, carry):
        k = lax.rem(t, 2)

        @pl.when(t + 1 < nt)
        def _():
            start_in(t + 1, lax.rem(t + 1, 2))

        pltpu.make_async_copy(in_hbm.at[pl.ds(t * nb, nb), :], ibuf.at[k],
                              isem.at[k]).wait()

        @pl.when(t >= 2)
        def _():
            pltpu.make_async_copy(obuf.at[k], dst(t), osem.at[k]).wait()

        obuf[k, 0] = jnp.transpose(ibuf[k])
        pltpu.async_copy(obuf.at[k], dst(t), osem.at[k])
        return carry

    lax.fori_loop(0, nt, body, 0)
    for k in range(2):
        pltpu.make_async_copy(obuf.at[k], dst(0), osem.at[k]).wait()


def _sc_body(w_hbm, comb_hbm, meta_hbm,
             logits_hbm, part_hbm,
             meta_v, rows_v, tvals_v, lvals_v, acc_v,
             gsem, wsem, tsem, lsem,
             *, tok_per_w, n_chunks):
    wid = lax.axis_index("s") * NC + lax.axis_index("c")
    base = wid * tok_per_w
    cbase = wid * n_chunks
    acc_v[...] = jnp.zeros((LANES,), jnp.float32)

    def start_chunk(i, k):
        pltpu.sync_copy(meta_hbm.at[cbase + i], meta_v.at[k])
        pltpu.async_copy(w_hbm.at[meta_v.at[k, 0]], rows_v.at[k], gsem.at[k])
        pltpu.async_copy(comb_hbm.at[meta_v.at[k, 1]], tvals_v.at[k],
                         tsem.at[k])
        pltpu.async_copy(comb_hbm.at[meta_v.at[k, 2]], lvals_v.at[k],
                         lsem.at[k])

    def start_writeout(k):
        pltpu.async_copy(rows_v.at[k], logits_hbm.at[meta_v.at[k, 3]],
                         wsem.at[k])

    def wait_writeout(k):
        pltpu.make_async_copy(rows_v.at[k], logits_hbm.at[meta_v.at[k, 3]],
                              wsem.at[k]).wait()

    start_chunk(0, 0)
    start_chunk(1, 1)

    def body(i, carry):
        k = lax.rem(i, NBUF)

        @pl.when(i + 2 < n_chunks)
        def _():
            k2 = lax.rem(i + 2, NBUF)

            @pl.when(i >= 1)
            def _():
                wait_writeout(k2)

            start_chunk(i + 2, k2)

        pltpu.make_async_copy(w_hbm.at[meta_v.at[k, 0]], rows_v.at[k],
                              gsem.at[k]).wait()
        start_writeout(k)
        pltpu.make_async_copy(comb_hbm.at[meta_v.at[k, 1]], tvals_v.at[k],
                              tsem.at[k]).wait()
        pltpu.make_async_copy(comb_hbm.at[meta_v.at[k, 2]], lvals_v.at[k],
                              lsem.at[k]).wait()
        for j in range(CHUNK // LANES):
            sl = pl.ds(j * LANES, LANES)
            acc_v[...] = acc_v[...] + (lvals_v[k, sl] - tvals_v[k, sl])
        return carry

    lax.fori_loop(0, n_chunks, body, 0)
    for k in range(NBUF):
        wait_writeout(k)
    pltpu.sync_copy(acc_v, part_hbm.at[wid])


def kernel(idx, targets, W):
    b, t = idx.shape
    v, v2 = W.shape
    n = b * t
    nb_half = b // 2
    half_n = n // 2
    tok_per_w = half_n // NW
    n_chunks = tok_per_w // CHUNK

    idx_f = idx.reshape(n).astype(jnp.int32)
    tgt_f = targets.reshape(n).astype(jnp.int32)
    fidx_f = idx_f * v2 + tgt_f
    lidx_f = v * v2 + idx_f
    tok_i = jnp.arange(n, dtype=jnp.int32)
    sidx_f = (tok_i % t) * nb_half + (tok_i // t) % nb_half
    meta = jnp.stack(
        [idx_f.reshape(-1, CHUNK), fidx_f.reshape(-1, CHUNK),
         lidx_f.reshape(-1, CHUNK), sidx_f.reshape(-1, CHUNK)], axis=1)
    hc = half_n // CHUNK
    meta_a, meta_b = meta[:hc], meta[hc:]

    lse = pl.pallas_call(
        _lse_body,
        out_shape=jax.ShapeDtypeStruct((v, 1), jnp.float32),
    )(W)
    comb = jnp.concatenate(
        [W.reshape(v * v2), lse.reshape(v), jnp.zeros((8,), jnp.float32)])

    mesh = plsc.VectorSubcoreMesh(core_axis_name="c", subcore_axis_name="s")
    sc = pl.kernel(
        functools.partial(_sc_body, tok_per_w=tok_per_w, n_chunks=n_chunks),
        mesh=mesh,
        out_type=[
            jax.ShapeDtypeStruct((half_n, v), jnp.float32),
            jax.ShapeDtypeStruct((NW, LANES), jnp.float32),
        ],
        scratch_types=[
            pltpu.VMEM((NBUF, 4, CHUNK), jnp.int32),
            pltpu.VMEM((NBUF, CHUNK, v), jnp.float32),
            pltpu.VMEM((NBUF, CHUNK), jnp.float32),
            pltpu.VMEM((NBUF, CHUNK), jnp.float32),
            pltpu.VMEM((LANES,), jnp.float32),
            pltpu.SemaphoreType.DMA((NBUF,)),
            pltpu.SemaphoreType.DMA((NBUF,)),
            pltpu.SemaphoreType.DMA((NBUF,)),
            pltpu.SemaphoreType.DMA((NBUF,)),
        ],
        compiler_params=pltpu.CompilerParams(use_tc_tiling_on_sc=False),
    )
    logits_a, parts_a = sc(W, comb, meta_a)
    logits_b, parts_b = sc(W, comb, meta_b)

    loss = pl.pallas_call(
        functools.partial(_loss_body, n_tokens=float(n)),
        out_shape=jax.ShapeDtypeStruct((1, 1), jnp.float32),
    )(jnp.concatenate([parts_a, parts_b]))

    tr_scratch = [
        pltpu.VMEM((2, nb_half, v), jnp.float32),
        pltpu.VMEM((2, 1, v, nb_half), jnp.float32),
        pltpu.SemaphoreType.DMA((2,)),
        pltpu.SemaphoreType.DMA((2,)),
    ]
    hbm = pl.BlockSpec(memory_space=pltpu.MemorySpace.HBM)
    ta = pl.pallas_call(
        functools.partial(_tr_body, nt=t, boff=0, nb=nb_half, aliased=False),
        in_specs=[hbm],
        out_specs=hbm,
        out_shape=jax.ShapeDtypeStruct((t, v, b), jnp.float32),
        scratch_shapes=tr_scratch,
    )(logits_a)
    tfull = pl.pallas_call(
        functools.partial(_tr_body, nt=t, boff=nb_half, nb=nb_half,
                          aliased=True),
        in_specs=[hbm, hbm],
        out_specs=hbm,
        out_shape=jax.ShapeDtypeStruct((t, v, b), jnp.float32),
        input_output_aliases={1: 0},
        scratch_shapes=tr_scratch,
    )(logits_b, ta)

    return (jnp.transpose(tfull, (2, 0, 1)), loss.reshape(()))

# --- scband reference (transcript-rebuilt; emitter-appended) ---
"""Pipeline reference for scband-bigram-language-modelv0-31473520345732 (READ-ONLY COPY).

The authoritative reference and input builder live on the scoring server;
editing this copy changes nothing except your own understanding.
"""

import jax, jax.numpy as jnp
import numpy as np

VOCAB = 1000
B = 1024
T = 50


def setup_inputs(seed: int = 0) -> dict:
    key = jax.random.key(seed)
    k1, k2, k3 = jax.random.split(key, 3)
    idx = jax.random.randint(k1, (B, T), 0, VOCAB)
    targets = jax.random.randint(k2, (B, T), 0, VOCAB)
    # learned parameter: embedding table of shape [vocab_size, vocab_size]
    W = jax.random.normal(k3, (VOCAB, VOCAB), dtype=jnp.float32) * 0.02
    return {"idx": idx, "targets": targets, "W": W}


def reference(idx, targets, W):
    # logits = self.embeddings(idx)
    logits = jnp.take(W, idx, axis=0)  # [B, T, V]
    b, t, v = logits.shape
    reshaped_logits = logits.reshape(b * t, v)
    flat_targets = targets.reshape(b * t)
    # cross entropy: mean over tokens of (logsumexp - logit[target])
    lse = jax.nn.logsumexp(reshaped_logits, axis=-1)
    tgt_logit = jnp.take_along_axis(reshaped_logits, flat_targets[:, None], axis=1)[:, 0]
    loss = jnp.mean(lse - tgt_logit)
    return (logits, loss)

if __name__ == "__main__":
    import jax
    _d = setup_inputs()
    print(jax.jit(kernel)(*tuple(_d.values())))

</pallas_src>

<mosaic_0001>
#map = affine_map<(d0, d1) -> (0, 0)>
#map1 = affine_map<(d0, d1) -> (0)>
#map2 = affine_map<(d0, d1) -> (0, 0, 0)>
module attributes {stable_mosaic.version = 14 : i64} {
  func.func @_sc_body(%arg0: i32, %arg1: i32, %arg2: memref<1000x1000xf32, #tpu.memory_space<hbm>>, %arg3: memref<1001008xf32, #tpu.memory_space<hbm>>, %arg4: memref<800x4x32xi32, #tpu.memory_space<hbm>>, %arg5: memref<25600x1000xf32, #tpu.memory_space<hbm>>, %arg6: memref<32x16xf32, #tpu.memory_space<hbm>>, %arg7: memref<3x4x32xi32, #tpu.memory_space<vmem>>, %arg8: memref<3x32x1000xf32, #tpu.memory_space<vmem>>, %arg9: memref<3x32xf32, #tpu.memory_space<vmem>>, %arg10: memref<3x32xf32, #tpu.memory_space<vmem>>, %arg11: memref<16xf32, #tpu.memory_space<vmem>>, %arg12: memref<3x!tpu.dma_semaphore, #tpu.memory_space<semaphore_mem>>, %arg13: memref<3x!tpu.dma_semaphore, #tpu.memory_space<semaphore_mem>>, %arg14: memref<3x!tpu.dma_semaphore, #tpu.memory_space<semaphore_mem>>, %arg15: memref<3x!tpu.dma_semaphore, #tpu.memory_space<semaphore_mem>>) attributes {dimension_semantics = [#tpu.dimension_semantics<core_parallel>, #tpu.dimension_semantics<subcore_parallel>], iteration_bounds = array<i64: 2, 16>, scalar_prefetch = 0 : i64, scratch_operands = 9 : i64, tpu.core_type = #tpu.core_type<sc_vector_subcore>, window_params = [{transform_indices = #map}, {transform_indices = #map1}, {transform_indices = #map2}, {transform_indices = #map}, {transform_indices = #map}]} {
    %mul3A = arith.constant 2 : i32
    %mul3A_0 = arith.muli %arg1, %mul3A : i32
    %add3A = arith.addi %mul3A_0, %arg0 : i32
    %mul3A_1 = arith.constant 800 : i32
    %mul3A_2 = arith.muli %add3A, %mul3A_1 : i32
    %mul3A_3 = arith.constant 25 : i32
    %mul3A_4 = arith.muli %add3A, %mul3A_3 : i32
    %broadcast_in_dim3A = arith.constant 0.000000e+00 : f32
    %broadcast_in_dim3A_5 = vector.broadcast %broadcast_in_dim3A : f32 to vector<16xf32>
    %swap3A = arith.constant 0 : index
    %swap3A_6 = tpu.vector_load %arg11[%swap3A] {strides = array<i32>} : memref<16xf32, #tpu.memory_space<vmem>>, vector<16xf32>,
    %swap3A_7 = vector.shape_cast %swap3A_6 : vector<16xf32> to vector<16xf32>
    %swap3A_8 = vector.shape_cast %broadcast_in_dim3A_5 : vector<16xf32> to vector<16xf32>
    tpu.vector_store %arg11[%swap3A], %swap3A_8 {strides = array<i32>} : memref<16xf32, #tpu.memory_space<vmem>>, vector<16xf32>,
    %add3A_9 = arith.constant 0 : i32
    %add3A_10 = arith.addi %mul3A_4, %add3A_9 : i32
    %run_scoped3A = arith.constant 0 : i32
    "tpu.region"() ({
      %run_scoped3A_153 = tpu.sem_alloc : memref<!tpu.dma_semaphore, #tpu.memory_space<semaphore_mem>>
      %dma_start3A_154 = arith.constant 0 : i32
      %dma_start3A_155 = arith.constant 0 : i32
      %dma_start3A_156 = tpu.memref_slice %arg7[%run_scoped3A, %dma_start3A_154, %dma_start3A_155] : memref<3x4x32xi32, #tpu.memory_space<vmem>> -> memref<1x4x32xi32, #tpu.memory_space<vmem>>
      %dma_start3A_157 = tpu.memref_squeeze %dma_start3A_156 : memref<1x4x32xi32, #tpu.memory_space<vmem>> -> memref<4x32xi32, #tpu.memory_space<vmem>>
      %dma_start3A_158 = arith.constant 0 : i32
      %dma_start3A_159 = arith.constant 0 : i32
      %dma_start3A_160 = tpu.memref_slice %arg4[%add3A_10, %dma_start3A_158, %dma_start3A_159] : memref<800x4x32xi32, #tpu.memory_space<hbm>> -> memref<1x4x32xi32, #tpu.memory_space<hbm>>
      %dma_start3A_161 = tpu.memref_squeeze %dma_start3A_160 : memref<1x4x32xi32, #tpu.memory_space<hbm>> -> memref<4x32xi32, #tpu.memory_space<hbm>>
      %dma_start3A_162 = arith.constant 0 : i32
      %dma_start3A_163 = arith.constant 0 : i32
      %dma_start3A_164 = tpu.memref_slice %arg7[%run_scoped3A, %dma_start3A_162, %dma_start3A_163] : memref<3x4x32xi32, #tpu.memory_space<vmem>> -> memref<1x4x32xi32, #tpu.memory_space<vmem>>
      %dma_start3A_165 = tpu.memref_squeeze %dma_start3A_164 : memref<1x4x32xi32, #tpu.memory_space<vmem>> -> memref<4x32xi32, #tpu.memory_space<vmem>>
      %dma_start3A_166 = arith.constant 0 : i32
      %dma_start3A_167 = arith.constant 0 : i32
      %dma_start3A_168 = tpu.memref_slice %arg4[%add3A_10, %dma_start3A_166, %dma_start3A_167] : memref<800x4x32xi32, #tpu.memory_space<hbm>> -> memref<1x4x32xi32, #tpu.memory_space<hbm>>
      %dma_start3A_169 = tpu.memref_squeeze %dma_start3A_168 : memref<1x4x32xi32, #tpu.memory_space<hbm>> -> memref<4x32xi32, #tpu.memory_space<hbm>>
      tpu.enqueue_dma source(%dma_start3A_169 : memref<4x32xi32, #tpu.memory_space<hbm>>) target(%dma_start3A_165 : memref<4x32xi32, #tpu.memory_space<vmem>>) target_semaphore(%run_scoped3A_153 : memref<!tpu.dma_semaphore, #tpu.memory_space<semaphore_mem>>)
      %dma_wait3A_170 = arith.constant 0 : i32
      %dma_wait3A_171 = arith.constant 0 : i32
      %dma_wait3A_172 = tpu.memref_slice %arg7[%run_scoped3A, %dma_wait3A_170, %dma_wait3A_171] : memref<3x4x32xi32, #tpu.memory_space<vmem>> -> memref<1x4x32xi32, #tpu.memory_space<vmem>>
      %dma_wait3A_173 = tpu.memref_squeeze %dma_wait3A_172 : memref<1x4x32xi32, #tpu.memory_space<vmem>> -> memref<4x32xi32, #tpu.memory_space<vmem>>
      %dma_wait3A_174 = arith.constant 0 : i32
      %dma_wait3A_175 = arith.constant 0 : i32
      %dma_wait3A_176 = tpu.memref_slice %arg4[%add3A_10, %dma_wait3A_174, %dma_wait3A_175] : memref<800x4x32xi32, #tpu.memory_space<hbm>> -> memref<1x4x32xi32, #tpu.memory_space<hbm>>
      %dma_wait3A_177 = tpu.memref_squeeze %dma_wait3A_176 : memref<1x4x32xi32, #tpu.memory_space<hbm>> -> memref<4x32xi32, #tpu.memory_space<hbm>>
      %dma_wait3A_178 = arith.constant 0 : i32
      %dma_wait3A_179 = arith.constant 0 : i32
      %dma_wait3A_180 = tpu.memref_slice %arg7[%run_scoped3A, %dma_wait3A_178, %dma_wait3A_179] : memref<3x4x32xi32, #tpu.memory_space<vmem>> -> memref<1x4x32xi32, #tpu.memory_space<vmem>>
      %dma_wait3A_181 = tpu.memref_squeeze %dma_wait3A_180 : memref<1x4x32xi32, #tpu.memory_space<vmem>> -> memref<4x32xi32, #tpu.memory_space<vmem>>
      %dma_wait3A_182 = arith.constant 0 : i32
      %dma_wait3A_183 = arith.constant 0 : i32
      %dma_wait3A_184 = tpu.memref_slice %arg4[%add3A_10, %dma_wait3A_182, %dma_wait3A_183] : memref<800x4x32xi32, #tpu.memory_space<hbm>> -> memref<1x4x32xi32, #tpu.memory_space<hbm>>
      %dma_wait3A_185 = tpu.memref_squeeze %dma_wait3A_184 : memref<1x4x32xi32, #tpu.memory_space<hbm>> -> memref<4x32xi32, #tpu.memory_space<hbm>>
      tpu.wait_dma2 semaphore(%run_scoped3A_153 : memref<!tpu.dma_semaphore, #tpu.memory_space<semaphore_mem>>) src(%dma_wait3A_185 : memref<4x32xi32, #tpu.memory_space<hbm>>) dst(%dma_wait3A_181 : memref<4x32xi32, #tpu.memory_space<vmem>>)
      tpu.yield
    }) : () -> ()
    %dma_start3A = arith.constant 0 : i32
    %dma_start3A_11 = arith.constant 0 : i32
    %dma_start3A_12 = arith.constant 0 : i32
    %dma_start3A_13 = arith.constant 0 : i32
    %dma_start3A_14 = arith.constant 0 : i32
    %dma_start3A_15 = arith.constant 0 : i32
    %dma_start3A_16 = tpu.memref_slice %arg8[%dma_start3A_12, %dma_start3A_14, %dma_start3A_15] : memref<3x32x1000xf32, #tpu.memory_space<vmem>> -> memref<1x32x1000xf32, #tpu.memory_space<vmem>>
    %dma_start3A_17 = tpu.memref_squeeze %dma_start3A_16 : memref<1x32x1000xf32, #tpu.memory_space<vmem>> -> memref<32x1000xf32, #tpu.memory_space<vmem>>
    %dma_start3A_18 = arith.constant 0 : i32
    %dma_start3A_19 = tpu.memref_slice %arg7[%dma_start3A, %dma_start3A_11, %dma_start3A_18] : memref<3x4x32xi32, #tpu.memory_space<vmem>> -> memref<1x1x32xi32, #tpu.memory_space<vmem>>
    %dma_start3A_20 = tpu.memref_squeeze %dma_start3A_19 : memref<1x1x32xi32, #tpu.memory_space<vmem>> -> memref<32xi32, #tpu.memory_space<vmem>>
    %dma_start3A_21 = arith.constant 0 : i32
    %dma_start3A_22 = arith.constant 0 : i32
    %dma_start3A_23 = tpu.memref_slice %arg2[%dma_start3A_21, %dma_start3A_22] : memref<1000x1000xf32, #tpu.memory_space<hbm>> -> memref<1000x1000xf32, #tpu.memory_space<hbm>>
    %dma_start3A_24 = tpu.memref_slice %arg12[%dma_start3A_13] : memref<3x!tpu.dma_semaphore, #tpu.memory_space<semaphore_mem>> -> memref<1x!tpu.dma_semaphore, #tpu.memory_space<semaphore_mem>>
    %dma_start3A_25 = tpu.memref_squeeze %dma_start3A_24 : memref<1x!tpu.dma_semaphore, #tpu.memory_space<semaphore_mem>> -> memref<!tpu.dma_semaphore, #tpu.memory_space<semaphore_mem>>
    tpu.enqueue_indirect_dma source(%dma_start3A_23 : memref<1000x1000xf32, #tpu.memory_space<hbm>>) target(%dma_start3A_17 : memref<32x1000xf32, #tpu.memory_space<vmem>>) offsets(%dma_start3A_20 : memref<32xi32, #tpu.memory_space<vmem>>) semaphore(%dma_start3A_25 : memref<!tpu.dma_semaphore, #tpu.memory_space<semaphore_mem>>)
    %dma_start3A_26 = arith.constant 0 : i32
    %dma_start3A_27 = arith.constant 1 : i32
    %dma_start3A_28 = arith.constant 0 : i32
    %dma_start3A_29 = arith.constant 0 : i32
    %dma_start3A_30 = arith.constant 0 : i32
    %dma_start3A_31 = tpu.memref_slice %arg9[%dma_start3A_28, %dma_start3A_30] : memref<3x32xf32, #tpu.memory_space<vmem>> -> memref<1x32xf32, #tpu.memory_space<vmem>>
    %dma_start3A_32 = tpu.memref_squeeze %dma_start3A_31 : memref<1x32xf32, #tpu.memory_space<vmem>> -> memref<32xf32, #tpu.memory_space<vmem>>
    %dma_start3A_33 = arith.constant 0 : i32
    %dma_start3A_34 = tpu.memref_slice %arg7[%dma_start3A_26, %dma_start3A_27, %dma_start3A_33] : memref<3x4x32xi32, #tpu.memory_space<vmem>> -> memref<1x1x32xi32, #tpu.memory_space<vmem>>
    %dma_start3A_35 = tpu.memref_squeeze %dma_start3A_34 : memref<1x1x32xi32, #tpu.memory_space<vmem>> -> memref<32xi32, #tpu.memory_space<vmem>>
    %dma_start3A_36 = arith.constant 0 : i32
    %dma_start3A_37 = tpu.memref_slice %arg3[%dma_start3A_36] : memref<1001008xf32, #tpu.memory_space<hbm>> -> memref<1001008xf32, #tpu.memory_space<hbm>>
    %dma_start3A_38 = tpu.memref_slice %arg14[%dma_start3A_29] : memref<3x!tpu.dma_semaphore, #tpu.memory_space<semaphore_mem>> -> memref<1x!tpu.dma_semaphore, #tpu.memory_space<semaphore_mem>>
    %dma_start3A_39 = tpu.memref_squeeze %dma_start3A_38 : memref<1x!tpu.dma_semaphore, #tpu.memory_space<semaphore_mem>> -> memref<!tpu.dma_semaphore, #tpu.memory_space<semaphore_mem>>
    tpu.enqueue_indirect_dma source(%dma_start3A_37 : memref<1001008xf32, #tpu.memory_space<hbm>>) target(%dma_start3A_32 : memref<32xf32, #tpu.memory_space<vmem>>) offsets(%dma_start3A_35 : memref<32xi32, #tpu.memory_space<vmem>>) semaphore(%dma_start3A_39 : memref<!tpu.dma_semaphore, #tpu.memory_space<semaphore_mem>>)
    %dma_start3A_40 = arith.constant 0 : i32
    %dma_start3A_41 = arith.constant 2 : i32
    %dma_start3A_42 = arith.constant 0 : i32
    %dma_start3A_43 = arith.constant 0 : i32
    %dma_start3A_44 = arith.constant 0 : i32
    %dma_start3A_45 = tpu.memref_slice %arg10[%dma_start3A_42, %dma_start3A_44] : memref<3x32xf32, #tpu.memory_space<vmem>> -> memref<1x32xf32, #tpu.memory_space<vmem>>
    %dma_start3A_46 = tpu.memref_squeeze %dma_start3A_45 : memref<1x32xf32, #tpu.memory_space<vmem>> -> memref<32xf32, #tpu.memory_space<vmem>>
    %dma_start3A_47 = arith.constant 0 : i32
    %dma_start3A_48 = tpu.memref_slice %arg7[%dma_start3A_40, %dma_start3A_41, %dma_start3A_47] : memref<3x4x32xi32, #tpu.memory_space<vmem>> -> memref<1x1x32xi32, #tpu.memory_space<vmem>>
    %dma_start3A_49 = tpu.memref_squeeze %dma_start3A_48 : memref<1x1x32xi32, #tpu.memory_space<vmem>> -> memref<32xi32, #tpu.memory_space<vmem>>
    %dma_start3A_50 = arith.constant 0 : i32
    %dma_start3A_51 = tpu.memref_slice %arg3[%dma_start3A_50] : memref<1001008xf32, #tpu.memory_space<hbm>> -> memref<1001008xf32, #tpu.memory_space<hbm>>
    %dma_start3A_52 = tpu.memref_slice %arg15[%dma_start3A_43] : memref<3x!tpu.dma_semaphore, #tpu.memory_space<semaphore_mem>> -> memref<1x!tpu.dma_semaphore, #tpu.memory_space<semaphore_mem>>
    %dma_start3A_53 = tpu.memref_squeeze %dma_start3A_52 : memref<1x!tpu.dma_semaphore, #tpu.memory_space<semaphore_mem>> -> memref<!tpu.dma_semaphore, #tpu.memory_space<semaphore_mem>>
    tpu.enqueue_indirect_dma source(%dma_start3A_51 : memref<1001008xf32, #tpu.memory_space<hbm>>) target(%dma_start3A_46 : memref<32xf32, #tpu.memory_space<vmem>>) offsets(%dma_start3A_49 : memref<32xi32, #tpu.memory_space<vmem>>) semaphore(%dma_start3A_53 : memref<!tpu.dma_semaphore, #tpu.memory_space<semaphore_mem>>)
    %add3A_54 = arith.constant 1 : i32
    %add3A_55 = arith.addi %mul3A_4, %add3A_54 : i32
    %run_scoped3A_56 = arith.constant 1 : i32
    "tpu.region"() ({
      %run_scoped3A_153 = tpu.sem_alloc : memref<!tpu.dma_semaphore, #tpu.memory_space<semaphore_mem>>
      %dma_start3A_154 = arith.constant 0 : i32
      %dma_start3A_155 = arith.constant 0 : i32
      %dma_start3A_156 = tpu.memref_slice %arg7[%run_scoped3A_56, %dma_start3A_154, %dma_start3A_155] : memref<3x4x32xi32, #tpu.memory_space<vmem>> -> memref<1x4x32xi32, #tpu.memory_space<vmem>>
      %dma_start3A_157 = tpu.memref_squeeze %dma_start3A_156 : memref<1x4x32xi32, #tpu.memory_space<vmem>> -> memref<4x32xi32, #tpu.memory_space<vmem>>
      %dma_start3A_158 = arith.constant 0 : i32
      %dma_start3A_159 = arith.constant 0 : i32
      %dma_start3A_160 = tpu.memref_slice %arg4[%add3A_55, %dma_start3A_158, %dma_start3A_159] : memref<800x4x32xi32, #tpu.memory_space<hbm>> -> memref<1x4x32xi32, #tpu.memory_space<hbm>>
      %dma_start3A_161 = tpu.memref_squeeze %dma_start3A_160 : memref<1x4x32xi32, #tpu.memory_space<hbm>> -> memref<4x32xi32, #tpu.memory_space<hbm>>
      %dma_start3A_162 = arith.constant 0 : i32
      %dma_start3A_163 = arith.constant 0 : i32
      %dma_start3A_164 = tpu.memref_slice %arg7[%run_scoped3A_56, %dma_start3A_162, %dma_start3A_163] : memref<3x4x32xi32, #tpu.memory_space<vmem>> -> memref<1x4x32xi32, #tpu.memory_space<vmem>>
      %dma_start3A_165 = tpu.memref_squeeze %dma_start3A_164 : memref<1x4x32xi32, #tpu.memory_space<vmem>> -> memref<4x32xi32, #tpu.memory_space<vmem>>
      %dma_start3A_166 = arith.constant 0 : i32
      %dma_start3A_167 = arith.constant 0 : i32
      %dma_start3A_168 = tpu.memref_slice %arg4[%add3A_55, %dma_start3A_166, %dma_start3A_167] : memref<800x4x32xi32, #tpu.memory_space<hbm>> -> memref<1x4x32xi32, #tpu.memory_space<hbm>>
      %dma_start3A_169 = tpu.memref_squeeze %dma_start3A_168 : memref<1x4x32xi32, #tpu.memory_space<hbm>> -> memref<4x32xi32, #tpu.memory_space<hbm>>
      tpu.enqueue_dma source(%dma_start3A_169 : memref<4x32xi32, #tpu.memory_space<hbm>>) target(%dma_start3A_165 : memref<4x32xi32, #tpu.memory_space<vmem>>) target_semaphore(%run_scoped3A_153 : memref<!tpu.dma_semaphore, #tpu.memory_space<semaphore_mem>>)
      %dma_wait3A_170 = arith.constant 0 : i32
      %dma_wait3A_171 = arith.constant 0 : i32
      %dma_wait3A_172 = tpu.memref_slice %arg7[%run_scoped3A_56, %dma_wait3A_170, %dma_wait3A_171] : memref<3x4x32xi32, #tpu.memory_space<vmem>> -> memref<1x4x32xi32, #tpu.memory_space<vmem>>
      %dma_wait3A_173 = tpu.memref_squeeze %dma_wait3A_172 : memref<1x4x32xi32, #tpu.memory_space<vmem>> -> memref<4x32xi32, #tpu.memory_space<vmem>>
      %dma_wait3A_174 = arith.constant 0 : i32
      %dma_wait3A_175 = arith.constant 0 : i32
      %dma_wait3A_176 = tpu.memref_slice %arg4[%add3A_55, %dma_wait3A_174, %dma_wait3A_175] : memref<800x4x32xi32, #tpu.memory_space<hbm>> -> memref<1x4x32xi32, #tpu.memory_space<hbm>>
      %dma_wait3A_177 = tpu.memref_squeeze %dma_wait3A_176 : memref<1x4x32xi32, #tpu.memory_space<hbm>> -> memref<4x32xi32, #tpu.memory_space<hbm>>
      %dma_wait3A_178 = arith.constant 0 : i32
      %dma_wait3A_179 = arith.constant 0 : i32
      %dma_wait3A_180 = tpu.memref_slice %arg7[%run_scoped3A_56, %dma_wait3A_178, %dma_wait3A_179] : memref<3x4x32xi32, #tpu.memory_space<vmem>> -> memref<1x4x32xi32, #tpu.memory_space<vmem>>
      %dma_wait3A_181 = tpu.memref_squeeze %dma_wait3A_180 : memref<1x4x32xi32, #tpu.memory_space<vmem>> -> memref<4x32xi32, #tpu.memory_space<vmem>>
      %dma_wait3A_182 = arith.constant 0 : i32
      %dma_wait3A_183 = arith.constant 0 : i32
      %dma_wait3A_184 = tpu.memref_slice %arg4[%add3A_55, %dma_wait3A_182, %dma_wait3A_183] : memref<800x4x32xi32, #tpu.memory_space<hbm>> -> memref<1x4x32xi32, #tpu.memory_space<hbm>>
      %dma_wait3A_185 = tpu.memref_squeeze %dma_wait3A_184 : memref<1x4x32xi32, #tpu.memory_space<hbm>> -> memref<4x32xi32, #tpu.memory_space<hbm>>
      tpu.wait_dma2 semaphore(%run_scoped3A_153 : memref<!tpu.dma_semaphore, #tpu.memory_space<semaphore_mem>>) src(%dma_wait3A_185 : memref<4x32xi32, #tpu.memory_space<hbm>>) dst(%dma_wait3A_181 : memref<4x32xi32, #tpu.memory_space<vmem>>)
      tpu.yield
    }) : () -> ()
    %dma_start3A_57 = arith.constant 1 : i32
    %dma_start3A_58 = arith.constant 0 : i32
    %dma_start3A_59 = arith.constant 1 : i32
    %dma_start3A_60 = arith.constant 1 : i32
    %dma_start3A_61 = arith.constant 0 : i32
    %dma_start3A_62 = arith.constant 0 : i32
    %dma_start3A_63 = tpu.memref_slice %arg8[%dma_start3A_59, %dma_start3A_61, %dma_start3A_62] : memref<3x32x1000xf32, #tpu.memory_space<vmem>> -> memref<1x32x1000xf32, #tpu.memory_space<vmem>>
    %dma_start3A_64 = tpu.memref_squeeze %dma_start3A_63 : memref<1x32x1000xf32, #tpu.memory_space<vmem>> -> memref<32x1000xf32, #tpu.memory_space<vmem>>
    %dma_start3A_65 = arith.constant 0 : i32
    %dma_start3A_66 = tpu.memref_slice %arg7[%dma_start3A_57, %dma_start3A_58, %dma_start3A_65] : memref<3x4x32xi32, #tpu.memory_space<vmem>> -> memref<1x1x32xi32, #tpu.memory_space<vmem>>
    %dma_start3A_67 = tpu.memref_squeeze %dma_start3A_66 : memref<1x1x32xi32, #tpu.memory_space<vmem>> -> memref<32xi32, #tpu.memory_space<vmem>>
    %dma_start3A_68 = arith.constant 0 : i32
    %dma_start3A_69 = arith.constant 0 : i32
    %dma_start3A_70 = tpu.memref_slice %arg2[%dma_start3A_68, %dma_start3A_69] : memref<1000x1000xf32, #tpu.memory_space<hbm>> -> memref<1000x1000xf32, #tpu.memory_space<hbm>>
    %dma_start3A_71 = tpu.memref_slice %arg12[%dma_start3A_60] : memref<3x!tpu.dma_semaphore, #tpu.memory_space<semaphore_mem>> -> memref<1x!tpu.dma_semaphore, #tpu.memory_space<semaphore_mem>>
    %dma_start3A_72 = tpu.memref_squeeze %dma_start3A_71 : memref<1x!tpu.dma_semaphore, #tpu.memory_space<semaphore_mem>> -> memref<!tpu.dma_semaphore, #tpu.memory_space<semaphore_mem>>
    tpu.enqueue_indirect_dma source(%dma_start3A_70 : memref<1000x1000xf32, #tpu.memory_space<hbm>>) target(%dma_start3A_64 : memref<32x1000xf32, #tpu.memory_space<vmem>>) offsets(%dma_start3A_67 : memref<32xi32, #tpu.memory_space<vmem>>) semaphore(%dma_start3A_72 : memref<!tpu.dma_semaphore, #tpu.memory_space<semaphore_mem>>)
    %dma_start3A_73 = arith.constant 1 : i32
    %dma_start3A_74 = arith.constant 1 : i32
    %dma_start3A_75 = arith.constant 1 : i32
    %dma_start3A_76 = arith.constant 1 : i32
    %dma_start3A_77 = arith.constant 0 : i32
    %dma_start3A_78 = tpu.memref_slice %arg9[%dma_start3A_75, %dma_start3A_77] : memref<3x32xf32, #tpu.memory_space<vmem>> -> memref<1x32xf32, #tpu.memory_space<vmem>>
    %dma_start3A_79 = tpu.memref_squeeze %dma_start3A_78 : memref<1x32xf32, #tpu.memory_space<vmem>> -> memref<32xf32, #tpu.memory_space<vmem>>
    %dma_start3A_80 = arith.constant 0 : i32
    %dma_start3A_81 = tpu.memref_slice %arg7[%dma_start3A_73, %dma_start3A_74, %dma_start3A_80] : memref<3x4x32xi32, #tpu.memory_space<vmem>> -> memref<1x1x32xi32, #tpu.memory_space<vmem>>
    %dma_start3A_82 = tpu.memref_squeeze %dma_start3A_81 : memref<1x1x32xi32, #tpu.memory_space<vmem>> -> memref<32xi32, #tpu.memory_space<vmem>>
    %dma_start3A_83 = arith.constant 0 : i32
    %dma_start3A_84 = tpu.memref_slice %arg3[%dma_start3A_83] : memref<1001008xf32, #tpu.memory_space<hbm>> -> memref<1001008xf32, #tpu.memory_space<hbm>>
    %dma_start3A_85 = tpu.memref_slice %arg14[%dma_start3A_76] : memref<3x!tpu.dma_semaphore, #tpu.memory_space<semaphore_mem>> -> memref<1x!tpu.dma_semaphore, #tpu.memory_space<semaphore_mem>>
    %dma_start3A_86 = tpu.memref_squeeze %dma_start3A_85 : memref<1x!tpu.dma_semaphore, #tpu.memory_space<semaphore_mem>> -> memref<!tpu.dma_semaphore, #tpu.memory_space<semaphore_mem>>
    tpu.enqueue_indirect_dma source(%dma_start3A_84 : memref<1001008xf32, #tpu.memory_space<hbm>>) target(%dma_start3A_79 : memref<32xf32, #tpu.memory_space<vmem>>) offsets(%dma_start3A_82 : memref<32xi32, #tpu.memory_space<vmem>>) semaphore(%dma_start3A_86 : memref<!tpu.dma_semaphore, #tpu.memory_space<semaphore_mem>>)
    %dma_start3A_87 = arith.constant 1 : i32
    %dma_start3A_88 = arith.constant 2 : i32
    %dma_start3A_89 = arith.constant 1 : i32
    %dma_start3A_90 = arith.constant 1 : i32
    %dma_start3A_91 = arith.constant 0 : i32
    %dma_start3A_92 = tpu.memref_slice %arg10[%dma_start3A_89, %dma_start3A_91] : memref<3x32xf32, #tpu.memory_space<vmem>> -> memref<1x32xf32, #tpu.memory_space<vmem>>
    %dma_start3A_93 = tpu.memref_squeeze %dma_start3A_92 : memref<1x32xf32, #tpu.memory_space<vmem>> -> memref<32xf32, #tpu.memory_space<vmem>>
    %dma_start3A_94 = arith.constant 0 : i32
    %dma_start3A_95 = tpu.memref_slice %arg7[%dma_start3A_87, %dma_start3A_88, %dma_start3A_94] : memref<3x4x32xi32, #tpu.memory_space<vmem>> -> memref<1x1x32xi32, #tpu.memory_space<vmem>>
    %dma_start3A_96 = tpu.memref_squeeze %dma_start3A_95 : memref<1x1x32xi32, #tpu.memory_space<vmem>> -> memref<32xi32, #tpu.memory_space<vmem>>
    %dma_start3A_97 = arith.constant 0 : i32
    %dma_start3A_98 = tpu.memref_slice %arg3[%dma_start3A_97] : memref<1001008xf32, #tpu.memory_space<hbm>> -> memref<1001008xf32, #tpu.memory_space<hbm>>
    %dma_start3A_99 = tpu.memref_slice %arg15[%dma_start3A_90] : memref<3x!tpu.dma_semaphore, #tpu.memory_space<semaphore_mem>> -> memref<1x!tpu.dma_semaphore, #tpu.memory_space<semaphore_mem>>
    %dma_start3A_100 = tpu.memref_squeeze %dma_start3A_99 : memref<1x!tpu.dma_semaphore, #tpu.memory_space<semaphore_mem>> -> memref<!tpu.dma_semaphore, #tpu.memory_space<semaphore_mem>>
    tpu.enqueue_indirect_dma source(%dma_start3A_98 : memref<1001008xf32, #tpu.memory_space<hbm>>) target(%dma_start3A_93 : memref<32xf32, #tpu.memory_space<vmem>>) offsets(%dma_start3A_96 : memref<32xi32, #tpu.memory_space<vmem>>) semaphore(%dma_start3A_100 : memref<!tpu.dma_semaphore, #tpu.memory_space<semaphore_mem>>)
    %scan3A = arith.constant 0 : i32
    %scan3A_101 = arith.constant 0 : i32
    %scan3A_102 = arith.constant 25 : i32
    %scan3A_103 = arith.addi %scan3A_101, %scan3A_102 : i32
    %scan3A_104 = arith.constant 1 : i32
    scf.for %scan3A_153 = %scan3A_101 to %scan3A_103 step %scan3A_104  : i32 {
      %rem3A = arith.constant 3 : i32
      %rem3A_154 = arith.remsi %scan3A_153, %rem3A : i32
      %add3A_155 = arith.constant 2 : i32
      %add3A_156 = arith.addi %scan3A_153, %add3A_155 : i32
      %lt3A = arith.constant 25 : i32
      %lt3A_157 = arith.cmpi slt, %add3A_156, %lt3A : i32
      %convert_element_type3A = arith.extui %lt3A_157 : i1 to i32
      %cond3A = arith.constant 0 : i32
      %cond3A_158 = arith.cmpi ne, %convert_element_type3A, %cond3A : i32
      scf.if %cond3A_158 {
        %add3A_239 = arith.constant 2 : i32
        %add3A_240 = arith.addi %scan3A_153, %add3A_239 : i32
        %rem3A_241 = arith.constant 3 : i32
        %rem3A_242 = arith.remsi %add3A_240, %rem3A_241 : i32
        %ge3A = arith.constant 1 : i32
        %ge3A_243 = arith.cmpi sge, %scan3A_153, %ge3A : i32
        %convert_element_type3A_244 = arith.extui %ge3A_243 : i1 to i32
        %cond3A_245 = arith.constant 0 : i32
        %cond3A_246 = arith.cmpi ne, %convert_element_type3A_244, %cond3A_245 : i32
        scf.if %cond3A_246 {
          %dma_wait3A_285 = arith.constant 3 : i32
          %dma_wait3A_286 = arith.constant 0 : i32
          %dma_wait3A_287 = arith.constant 0 : i32
          %dma_wait3A_288 = tpu.memref_slice %arg8[%rem3A_242, %dma_wait3A_286, %dma_wait3A_287] : memref<3x32x1000xf32, #tpu.memory_space<vmem>> -> memref<1x32x1000xf32, #tpu.memory_space<vmem>>
          %dma_wait3A_289 = tpu.memref_squeeze %dma_wait3A_288 : memref<1x32x1000xf32, #tpu.memory_space<vmem>> -> memref<32x1000xf32, #tpu.memory_space<vmem>>
          %dma_wait3A_290 = arith.constant 0 : i32
          %dma_wait3A_291 = tpu.memref_slice %arg7[%rem3A_242, %dma_wait3A_285, %dma_wait3A_290] : memref<3x4x32xi32, #tpu.memory_space<vmem>> -> memref<1x1x32xi32, #tpu.memory_space<vmem>>
          %dma_wait3A_292 = tpu.memref_squeeze %dma_wait3A_291 : memref<1x1x32xi32, #tpu.memory_space<vmem>> -> memref<32xi32, #tpu.memory_space<vmem>>
          %dma_wait3A_293 = arith.constant 0 : i32
          %dma_wait3A_294 = arith.constant 0 : i32
          %dma_wait3A_295 = tpu.memref_slice %arg5[%dma_wait3A_293, %dma_wait3A_294] : memref<25600x1000xf32, #tpu.memory_space<hbm>> -> memref<25600x1000xf32, #tpu.memory_space<hbm>>
          %dma_wait3A_296 = tpu.memref_slice %arg13[%rem3A_242] : memref<3x!tpu.dma_semaphore, #tpu.memory_space<semaphore_mem>> -> memref<1x!tpu.dma_semaphore, #tpu.memory_space<semaphore_mem>>
          %dma_wait3A_297 = tpu.memref_squeeze %dma_wait3A_296 : memref<1x!tpu.dma_semaphore, #tpu.memory_space<semaphore_mem>> -> memref<!tpu.dma_semaphore, #tpu.memory_space<semaphore_mem>>
          tpu.wait_indirect_dma semaphore(%dma_wait3A_297 : memref<!tpu.dma_semaphore, #tpu.memory_space<semaphore_mem>>) src(%dma_wait3A_289 : memref<32x1000xf32, #tpu.memory_space<vmem>>) dst(%dma_wait3A_295 : memref<25600x1000xf32, #tpu.memory_space<hbm>>)
        } else {
        }
        %add3A_247 = arith.constant 2 : i32
        %add3A_248 = arith.addi %scan3A_153, %add3A_247 : i32
        %add3A_249 = arith.addi %mul3A_4, %add3A_248 : i32
        "tpu.region"() ({
          %run_scoped3A_285 = tpu.sem_alloc : memref<!tpu.dma_semaphore, #tpu.memory_space<semaphore_mem>>
          %dma_start3A_286 = arith.constant 0 : i32
          %dma_start3A_287 = arith.constant 0 : i32
          %dma_start3A_288 = tpu.memref_slice %arg7[%rem3A_242, %dma_start3A_286, %dma_start3A_287] : memref<3x4x32xi32, #tpu.memory_space<vmem>> -> memref<1x4x32xi32, #tpu.memory_space<vmem>>
          %dma_start3A_289 = tpu.memref_squeeze %dma_start3A_288 : memref<1x4x32xi32, #tpu.memory_space<vmem>> -> memref<4x32xi32, #tpu.memory_space<vmem>>
          %dma_start3A_290 = arith.constant 0 : i32
          %dma_start3A_291 = arith.constant 0 : i32
          %dma_start3A_292 = tpu.memref_slice %arg4[%add3A_249, %dma_start3A_290, %dma_start3A_291] : memref<800x4x32xi32, #tpu.memory_space<hbm>> -> memref<1x4x32xi32, #tpu.memory_space<hbm>>
          %dma_start3A_293 = tpu.memref_squeeze %dma_start3A_292 : memref<1x4x32xi32, #tpu.memory_space<hbm>> -> memref<4x32xi32, #tpu.memory_space<hbm>>
          %dma_start3A_294 = arith.constant 0 : i32
          %dma_start3A_295 = arith.constant 0 : i32
          %dma_start3A_296 = tpu.memref_slice %arg7[%rem3A_242, %dma_start3A_294, %dma_start3A_295] : memref<3x4x32xi32, #tpu.memory_space<vmem>> -> memref<1x4x32xi32, #tpu.memory_space<vmem>>
          %dma_start3A_297 = tpu.memref_squeeze %dma_start3A_296 : memref<1x4x32xi32, #tpu.memory_space<vmem>> -> memref<4x32xi32, #tpu.memory_space<vmem>>
          %dma_start3A_298 = arith.constant 0 : i32
          %dma_start3A_299 = arith.constant 0 : i32
          %dma_start3A_300 = tpu.memref_slice %arg4[%add3A_249, %dma_start3A_298, %dma_start3A_299] : memref<800x4x32xi32, #tpu.memory_space<hbm>> -> memref<1x4x32xi32, #tpu.memory_space<hbm>>
          %dma_start3A_301 = tpu.memref_squeeze %dma_start3A_300 : memref<1x4x32xi32, #tpu.memory_space<hbm>> -> memref<4x32xi32, #tpu.memory_space<hbm>>
          tpu.enqueue_dma source(%dma_start3A_301 : memref<4x32xi32, #tpu.memory_space<hbm>>) target(%dma_start3A_297 : memref<4x32xi32, #tpu.memory_space<vmem>>) target_semaphore(%run_scoped3A_285 : memref<!tpu.dma_semaphore, #tpu.memory_space<semaphore_mem>>)
          %dma_wait3A_302 = arith.constant 0 : i32
          %dma_wait3A_303 = arith.constant 0 : i32
          %dma_wait3A_304 = tpu.memref_slice %arg7[%rem3A_242, %dma_wait3A_302, %dma_wait3A_303] : memref<3x4x32xi32, #tpu.memory_space<vmem>> -> memref<1x4x32xi32, #tpu.memory_space<vmem>>
          %dma_wait3A_305 = tpu.memref_squeeze %dma_wait3A_304 : memref<1x4x32xi32, #tpu.memory_space<vmem>> -> memref<4x32xi32, #tpu.memory_space<vmem>>
          %dma_wait3A_306 = arith.constant 0 : i32
          %dma_wait3A_307 = arith.constant 0 : i32
          %dma_wait3A_308 = tpu.memref_slice %arg4[%add3A_249, %dma_wait3A_306, %dma_wait3A_307] : memref<800x4x32xi32, #tpu.memory_space<hbm>> -> memref<1x4x32xi32, #tpu.memory_space<hbm>>
          %dma_wait3A_309 = tpu.memref_squeeze %dma_wait3A_308 : memref<1x4x32xi32, #tpu.memory_space<hbm>> -> memref<4x32xi32, #tpu.memory_space<hbm>>
          %dma_wait3A_310 = arith.constant 0 : i32
          %dma_wait3A_311 = arith.constant 0 : i32
          %dma_wait3A_312 = tpu.memref_slice %arg7[%rem3A_242, %dma_wait3A_310, %dma_wait3A_311] : memref<3x4x32xi32, #tpu.memory_space<vmem>> -> memref<1x4x32xi32, #tpu.memory_space<vmem>>
          %dma_wait3A_313 = tpu.memref_squeeze %dma_wait3A_312 : memref<1x4x32xi32, #tpu.memory_space<vmem>> -> memref<4x32xi32, #tpu.memory_space<vmem>>
          %dma_wait3A_314 = arith.constant 0 : i32
          %dma_wait3A_315 = arith.constant 0 : i32
          %dma_wait3A_316 = tpu.memref_slice %arg4[%add3A_249, %dma_wait3A_314, %dma_wait3A_315] : memref<800x4x32xi32, #tpu.memory_space<hbm>> -> memref<1x4x32xi32, #tpu.memory_space<hbm>>
          %dma_wait3A_317 = tpu.memref_squeeze %dma_wait3A_316 : memref<1x4x32xi32, #tpu.memory_space<hbm>> -> memref<4x32xi32, #tpu.memory_space<hbm>>
          tpu.wait_dma2 semaphore(%run_scoped3A_285 : memref<!tpu.dma_semaphore, #tpu.memory_space<semaphore_mem>>) src(%dma_wait3A_317 : memref<4x32xi32, #tpu.memory_space<hbm>>) dst(%dma_wait3A_313 : memref<4x32xi32, #tpu.memory_space<vmem>>)
          tpu.yield
        }) : () -> ()
        %dma_start3A_250 = arith.constant 0 : i32
        %dma_start3A_251 = arith.constant 0 : i32
        %dma_start3A_252 = arith.constant 0 : i32
        %dma_start3A_253 = tpu.memref_slice %arg8[%rem3A_242, %dma_start3A_251, %dma_start3A_252] : memref<3x32x1000xf32, #tpu.memory_space<vmem>> -> memref<1x32x1000xf32, #tpu.memory_space<vmem>>
        %dma_start3A_254 = tpu.memref_squeeze %dma_start3A_253 : memref<1x32x1000xf32, #tpu.memory_space<vmem>> -> memref<32x1000xf32, #tpu.memory_space<vmem>>
        %dma_start3A_255 = arith.constant 0 : i32
        %dma_start3A_256 = tpu.memref_slice %arg7[%rem3A_242, %dma_start3A_250, %dma_start3A_255] : memref<3x4x32xi32, #tpu.memory_space<vmem>> -> memref<1x1x32xi32, #tpu.memory_space<vmem>>
        %dma_start3A_257 = tpu.memref_squeeze %dma_start3A_256 : memref<1x1x32xi32, #tpu.memory_space<vmem>> -> memref<32xi32, #tpu.memory_space<vmem>>
        %dma_start3A_258 = arith.constant 0 : i32
        %dma_start3A_259 = arith.constant 0 : i32
        %dma_start3A_260 = tpu.memref_slice %arg2[%dma_start3A_258, %dma_start3A_259] : memref<1000x1000xf32, #tpu.memory_space<hbm>> -> memref<1000x1000xf32, #tpu.memory_space<hbm>>
        %dma_start3A_261 = tpu.memref_slice %arg12[%rem3A_242] : memref<3x!tpu.dma_semaphore, #tpu.memory_space<semaphore_mem>> -> memref<1x!tpu.dma_semaphore, #tpu.memory_space<semaphore_mem>>
        %dma_start3A_262 = tpu.memref_squeeze %dma_start3A_261 : memref<1x!tpu.dma_semaphore, #tpu.memory_space<semaphore_mem>> -> memref<!tpu.dma_semaphore, #tpu.memory_space<semaphore_mem>>
        tpu.enqueue_indirect_dma source(%dma_start3A_260 : memref<1000x1000xf32, #tpu.memory_space<hbm>>) target(%dma_start3A_254 : memref<32x1000xf32, #tpu.memory_space<vmem>>) offsets(%dma_start3A_257 : memref<32xi32, #tpu.memory_space<vmem>>) semaphore(%dma_start3A_262 : memref<!tpu.dma_semaphore, #tpu.memory_space<semaphore_mem>>)
        %dma_start3A_263 = arith.constant 1 : i32
        %dma_start3A_264 = arith.constant 0 : i32
        %dma_start3A_265 = tpu.memref_slice %arg9[%rem3A_242, %dma_start3A_264] : memref<3x32xf32, #tpu.memory_space<vmem>> -> memref<1x32xf32, #tpu.memory_space<vmem>>
        %dma_start3A_266 = tpu.memref_squeeze %dma_start3A_265 : memref<1x32xf32, #tpu.memory_space<vmem>> -> memref<32xf32, #tpu.memory_space<vmem>>
        %dma_start3A_267 = arith.constant 0 : i32
        %dma_start3A_268 = tpu.memref_slice %arg7[%rem3A_242, %dma_start3A_263, %dma_start3A_267] : memref<3x4x32xi32, #tpu.memory_space<vmem>> -> memref<1x1x32xi32, #tpu.memory_space<vmem>>
        %dma_start3A_269 = tpu.memref_squeeze %dma_start3A_268 : memref<1x1x32xi32, #tpu.memory_space<vmem>> -> memref<32xi32, #tpu.memory_space<vmem>>
        %dma_start3A_270 = arith.constant 0 : i32
        %dma_start3A_271 = tpu.memref_slice %arg3[%dma_start3A_270] : memref<1001008xf32, #tpu.memory_space<hbm>> -> memref<1001008xf32, #tpu.memory_space<hbm>>
        %dma_start3A_272 = tpu.memref_slice %arg14[%rem3A_242] : memref<3x!tpu.dma_semaphore, #tpu.memory_space<semaphore_mem>> -> memref<1x!tpu.dma_semaphore, #tpu.memory_space<semaphore_mem>>
        %dma_start3A_273 = tpu.memref_squeeze %dma_start3A_272 : memref<1x!tpu.dma_semaphore, #tpu.memory_space<semaphore_mem>> -> memref<!tpu.dma_semaphore, #tpu.memory_space<semaphore_mem>>
        tpu.enqueue_indirect_dma source(%dma_start3A_271 : memref<1001008xf32, #tpu.memory_space<hbm>>) target(%dma_start3A_266 : memref<32xf32, #tpu.memory_space<vmem>>) offsets(%dma_start3A_269 : memref<32xi32, #tpu.memory_space<vmem>>) semaphore(%dma_start3A_273 : memref<!tpu.dma_semaphore, #tpu.memory_space<semaphore_mem>>)
        %dma_start3A_274 = arith.constant 2 : i32
        %dma_start3A_275 = arith.constant 0 : i32
        %dma_start3A_276 = tpu.memref_slice %arg10[%rem3A_242, %dma_start3A_275] : memref<3x32xf32, #tpu.memory_space<vmem>> -> memref<1x32xf32, #tpu.memory_space<vmem>>
        %dma_start3A_277 = tpu.memref_squeeze %dma_start3A_276 : memref<1x32xf32, #tpu.memory_space<vmem>> -> memref<32xf32, #tpu.memory_space<vmem>>
        %dma_start3A_278 = arith.constant 0 : i32
        %dma_start3A_279 = tpu.memref_slice %arg7[%rem3A_242, %dma_start3A_274, %dma_start3A_278] : memref<3x4x32xi32, #tpu.memory_space<vmem>> -> memref<1x1x32xi32, #tpu.memory_space<vmem>>
        %dma_start3A_280 = tpu.memref_squeeze %dma_start3A_279 : memref<1x1x32xi32, #tpu.memory_space<vmem>> -> memref<32xi32, #tpu.memory_space<vmem>>
        %dma_start3A_281 = arith.constant 0 : i32
        %dma_start3A_282 = tpu.memref_slice %arg3[%dma_start3A_281] : memref<1001008xf32, #tpu.memory_space<hbm>> -> memref<1001008xf32, #tpu.memory_space<hbm>>
        %dma_start3A_283 = tpu.memref_slice %arg15[%rem3A_242] : memref<3x!tpu.dma_semaphore, #tpu.memory_space<semaphore_mem>> -> memref<1x!tpu.dma_semaphore, #tpu.memory_space<semaphore_mem>>
        %dma_start3A_284 = tpu.memref_squeeze %dma_start3A_283 : memref<1x!tpu.dma_semaphore, #tpu.memory_space<semaphore_mem>> -> memref<!tpu.dma_semaphore, #tpu.memory_space<semaphore_mem>>
        tpu.enqueue_indirect_dma source(%dma_start3A_282 : memref<1001008xf32, #tpu.memory_space<hbm>>) target(%dma_start3A_277 : memref<32xf32, #tpu.memory_space<vmem>>) offsets(%dma_start3A_280 : memref<32xi32, #tpu.memory_space<vmem>>) semaphore(%dma_start3A_284 : memref<!tpu.dma_semaphore, #tpu.memory_space<semaphore_mem>>)
      } else {
      }
      %dma_wait3A_159 = arith.constant 0 : i32
      %dma_wait3A_160 = arith.constant 0 : i32
      %dma_wait3A_161 = arith.constant 0 : i32
      %dma_wait3A_162 = tpu.memref_slice %arg8[%rem3A_154, %dma_wait3A_160, %dma_wait3A_161] : memref<3x32x1000xf32, #tpu.memory_space<vmem>> -> memref<1x32x1000xf32, #tpu.memory_space<vmem>>
      %dma_wait3A_163 = tpu.memref_squeeze %dma_wait3A_162 : memref<1x32x1000xf32, #tpu.memory_space<vmem>> -> memref<32x1000xf32, #tpu.memory_space<vmem>>
      %dma_wait3A_164 = arith.constant 0 : i32
      %dma_wait3A_165 = tpu.memref_slice %arg7[%rem3A_154, %dma_wait3A_159, %dma_wait3A_164] : memref<3x4x32xi32, #tpu.memory_space<vmem>> -> memref<1x1x32xi32, #tpu.memory_space<vmem>>
      %dma_wait3A_166 = tpu.memref_squeeze %dma_wait3A_165 : memref<1x1x32xi32, #tpu.memory_space<vmem>> -> memref<32xi32, #tpu.memory_space<vmem>>
      %dma_wait3A_167 = arith.constant 0 : i32
      %dma_wait3A_168 = arith.constant 0 : i32
      %dma_wait3A_169 = tpu.memref_slice %arg2[%dma_wait3A_167, %dma_wait3A_168] : memref<1000x1000xf32, #tpu.memory_space<hbm>> -> memref<1000x1000xf32, #tpu.memory_space<hbm>>
      %dma_wait3A_170 = tpu.memref_slice %arg12[%rem3A_154] : memref<3x!tpu.dma_semaphore, #tpu.memory_space<semaphore_mem>> -> memref<1x!tpu.dma_semaphore, #tpu.memory_space<semaphore_mem>>
      %dma_wait3A_171 = tpu.memref_squeeze %dma_wait3A_170 : memref<1x!tpu.dma_semaphore, #tpu.memory_space<semaphore_mem>> -> memref<!tpu.dma_semaphore, #tpu.memory_space<semaphore_mem>>
      tpu.wait_indirect_dma semaphore(%dma_wait3A_171 : memref<!tpu.dma_semaphore, #tpu.memory_space<semaphore_mem>>) src(%dma_wait3A_169 : memref<1000x1000xf32, #tpu.memory_space<hbm>>) dst(%dma_wait3A_163 : memref<32x1000xf32, #tpu.memory_space<vmem>>)
      %dma_start3A_172 = arith.constant 3 : i32
      %dma_start3A_173 = arith.constant 0 : i32
      %dma_start3A_174 = arith.constant 0 : i32
      %dma_start3A_175 = tpu.memref_slice %arg8[%rem3A_154, %dma_start3A_173, %dma_start3A_174] : memref<3x32x1000xf32, #tpu.memory_space<vmem>> -> memref<1x32x1000xf32, #tpu.memory_space<vmem>>
      %dma_start3A_176 = tpu.memref_squeeze %dma_start3A_175 : memref<1x32x1000xf32, #tpu.memory_space<vmem>> -> memref<32x1000xf32, #tpu.memory_space<vmem>>
      %dma_start3A_177 = arith.constant 0 : i32
      %dma_start3A_178 = tpu.memref_slice %arg7[%rem3A_154, %dma_start3A_172, %dma_start3A_177] : memref<3x4x32xi32, #tpu.memory_space<vmem>> -> memref<1x1x32xi32, #tpu.memory_space<vmem>>
      %dma_start3A_179 = tpu.memref_squeeze %dma_start3A_178 : memref<1x1x32xi32, #tpu.memory_space<vmem>> -> memref<32xi32, #tpu.memory_space<vmem>>
      %dma_start3A_180 = arith.constant 0 : i32
      %dma_start3A_181 = arith.constant 0 : i32
      %dma_start3A_182 = tpu.memref_slice %arg5[%dma_start3A_180, %dma_start3A_181] : memref<25600x1000xf32, #tpu.memory_space<hbm>> -> memref<25600x1000xf32, #tpu.memory_space<hbm>>
      %dma_start3A_183 = tpu.memref_slice %arg13[%rem3A_154] : memref<3x!tpu.dma_semaphore, #tpu.memory_space<semaphore_mem>> -> memref<1x!tpu.dma_semaphore, #tpu.memory_space<semaphore_mem>>
      %dma_start3A_184 = tpu.memref_squeeze %dma_start3A_183 : memref<1x!tpu.dma_semaphore, #tpu.memory_space<semaphore_mem>> -> memref<!tpu.dma_semaphore, #tpu.memory_space<semaphore_mem>>
      tpu.enqueue_indirect_dma source(%dma_start3A_176 : memref<32x1000xf32, #tpu.memory_space<vmem>>) target(%dma_start3A_182 : memref<25600x1000xf32, #tpu.memory_space<hbm>>) offsets(%dma_start3A_179 : memref<32xi32, #tpu.memory_space<vmem>>) semaphore(%dma_start3A_184 : memref<!tpu.dma_semaphore, #tpu.memory_space<semaphore_mem>>)
      %dma_wait3A_185 = arith.constant 1 : i32
      %dma_wait3A_186 = arith.constant 0 : i32
      %dma_wait3A_187 = tpu.memref_slice %arg9[%rem3A_154, %dma_wait3A_186] : memref<3x32xf32, #tpu.memory_space<vmem>> -> memref<1x32xf32, #tpu.memory_space<vmem>>
      %dma_wait3A_188 = tpu.memref_squeeze %dma_wait3A_187 : memref<1x32xf32, #tpu.memory_space<vmem>> -> memref<32xf32, #tpu.memory_space<vmem>>
      %dma_wait3A_189 = arith.constant 0 : i32
      %dma_wait3A_190 = tpu.memref_slice %arg7[%rem3A_154, %dma_wait3A_185, %dma_wait3A_189] : memref<3x4x32xi32, #tpu.memory_space<vmem>> -> memref<1x1x32xi32, #tpu.memory_space<vmem>>
      %dma_wait3A_191 = tpu.memref_squeeze %dma_wait3A_190 : memref<1x1x32xi32, #tpu.memory_space<vmem>> -> memref<32xi32, #tpu.memory_space<vmem>>
      %dma_wait3A_192 = arith.constant 0 : i32
      %dma_wait3A_193 = tpu.memref_slice %arg3[%dma_wait3A_192] : memref<1001008xf32, #tpu.memory_space<hbm>> -> memref<1001008xf32, #tpu.memory_space<hbm>>
      %dma_wait3A_194 = tpu.memref_slice %arg14[%rem3A_154] : memref<3x!tpu.dma_semaphore, #tpu.memory_space<semaphore_mem>> -> memref<1x!tpu.dma_semaphore, #tpu.memory_space<semaphore_mem>>
      %dma_wait3A_195 = tpu.memref_squeeze %dma_wait3A_194 : memref<1x!tpu.dma_semaphore, #tpu.memory_space<semaphore_mem>> -> memref<!tpu.dma_semaphore, #tpu.memory_space<semaphore_mem>>
      tpu.wait_indirect_dma semaphore(%dma_wait3A_195 : memref<!tpu.dma_semaphore, #tpu.memory_space<semaphore_mem>>) src(%dma_wait3A_193 : memref<1001008xf32, #tpu.memory_space<hbm>>) dst(%dma_wait3A_188 : memref<32xf32, #tpu.memory_space<vmem>>)
      %dma_wait3A_196 = arith.constant 2 : i32
      %dma_wait3A_197 = arith.constant 0 : i32
      %dma_wait3A_198 = tpu.memref_slice %arg10[%rem3A_154, %dma_wait3A_197] : memref<3x32xf32, #tpu.memory_space<vmem>> -> memref<1x32xf32, #tpu.memory_space<vmem>>
      %dma_wait3A_199 = tpu.memref_squeeze %dma_wait3A_198 : memref<1x32xf32, #tpu.memory_space<vmem>> -> memref<32xf32, #tpu.memory_space<vmem>>
      %dma_wait3A_200 = arith.constant 0 : i32
      %dma_wait3A_201 = tpu.memref_slice %arg7[%rem3A_154, %dma_wait3A_196, %dma_wait3A_200] : memref<3x4x32xi32, #tpu.memory_space<vmem>> -> memref<1x1x32xi32, #tpu.memory_space<vmem>>
      %dma_wait3A_202 = tpu.memref_squeeze %dma_wait3A_201 : memref<1x1x32xi32, #tpu.memory_space<vmem>> -> memref<32xi32, #tpu.memory_space<vmem>>
      %dma_wait3A_203 = arith.constant 0 : i32
      %dma_wait3A_204 = tpu.memref_slice %arg3[%dma_wait3A_203] : memref<1001008xf32, #tpu.memory_space<hbm>> -> memref<1001008xf32, #tpu.memory_space<hbm>>
      %dma_wait3A_205 = tpu.memref_slice %arg15[%rem3A_154] : memref<3x!tpu.dma_semaphore, #tpu.memory_space<semaphore_mem>> -> memref<1x!tpu.dma_semaphore, #tpu.memory_space<semaphore_mem>>
      %dma_wait3A_206 = tpu.memref_squeeze %dma_wait3A_205 : memref<1x!tpu.dma_semaphore, #tpu.memory_space<semaphore_mem>> -> memref<!tpu.dma_semaphore, #tpu.memory_space<semaphore_mem>>
      tpu.wait_indirect_dma semaphore(%dma_wait3A_206 : memref<!tpu.dma_semaphore, #tpu.memory_space<semaphore_mem>>) src(%dma_wait3A_204 : memref<1001008xf32, #tpu.memory_space<hbm>>) dst(%dma_wait3A_199 : memref<32xf32, #tpu.memory_space<vmem>>)
      %get3A = arith.constant 0 : index
      %get3A_207 = tpu.vector_load %arg11[%get3A] {strides = array<i32>} : memref<16xf32, #tpu.memory_space<vmem>>, vector<16xf32>,
      %get3A_208 = vector.shape_cast %get3A_207 : vector<16xf32> to vector<16xf32>
      %get3A_209 = arith.index_cast %rem3A_154 : i32 to index
      %get3A_210 = arith.constant 0 : index
      %get3A_211 = tpu.vector_load %arg10[%get3A_209, %get3A_210] {strides = array<i32>} : memref<3x32xf32, #tpu.memory_space<vmem>>, vector<1x16xf32>,
      %get3A_212 = vector.shape_cast %get3A_211 : vector<1x16xf32> to vector<16xf32>
      %get3A_213 = arith.index_cast %rem3A_154 : i32 to index
      %get3A_214 = arith.constant 0 : index
      %get3A_215 = tpu.vector_load %arg9[%get3A_213, %get3A_214] {strides = array<i32>} : memref<3x32xf32, #tpu.memory_space<vmem>>, vector<1x16xf32>,
      %get3A_216 = vector.shape_cast %get3A_215 : vector<1x16xf32> to vector<16xf32>
      %sub3A = arith.subf %get3A_212, %get3A_216 : vector<16xf32>
      %add3A_217 = arith.addf %get3A_208, %sub3A : vector<16xf32>
      %swap3A_218 = arith.constant 0 : index
      %swap3A_219 = tpu.vector_load %arg11[%swap3A_218] {strides = array<i32>} : memref<16xf32, #tpu.memory_space<vmem>>, vector<16xf32>,
      %swap3A_220 = vector.shape_cast %swap3A_219 : vector<16xf32> to vector<16xf32>
      %swap3A_221 = vector.shape_cast %add3A_217 : vector<16xf32> to vector<16xf32>
      tpu.vector_store %arg11[%swap3A_218], %swap3A_221 {strides = array<i32>} : memref<16xf32, #tpu.memory_space<vmem>>, vector<16xf32>,
      %get3A_222 = arith.constant 0 : index
      %get3A_223 = tpu.vector_load %arg11[%get3A_222] {strides = array<i32>} : memref<16xf32, #tpu.memory_space<vmem>>, vector<16xf32>,
      %get3A_224 = vector.shape_cast %get3A_223 : vector<16xf32> to vector<16xf32>
      %get3A_225 = arith.index_cast %rem3A_154 : i32 to index
      %get3A_226 = arith.constant 16 : index
      %get3A_227 = tpu.vector_load %arg10[%get3A_225, %get3A_226] {strides = array<i32>} : memref<3x32xf32, #tpu.memory_space<vmem>>, vector<1x16xf32>,
      %get3A_228 = vector.shape_cast %get3A_227 : vector<1x16xf32> to vector<16xf32>
      %get3A_229 = arith.index_cast %rem3A_154 : i32 to index
      %get3A_230 = arith.constant 16 : index
      %get3A_231 = tpu.vector_load %arg9[%get3A_229, %get3A_230] {strides = array<i32>} : memref<3x32xf32, #tpu.memory_space<vmem>>, vector<1x16xf32>,
      %get3A_232 = vector.shape_cast %get3A_231 : vector<1x16xf32> to vector<16xf32>
      %sub3A_233 = arith.subf %get3A_228, %get3A_232 : vector<16xf32>
      %add3A_234 = arith.addf %get3A_224, %sub3A_233 : vector<16xf32>
      %swap3A_235 = arith.constant 0 : index
      %swap3A_236 = tpu.vector_load %arg11[%swap3A_235] {strides = array<i32>} : memref<16xf32, #tpu.memory_space<vmem>>, vector<16xf32>,
      %swap3A_237 = vector.shape_cast %swap3A_236 : vector<16xf32> to vector<16xf32>
      %swap3A_238 = vector.shape_cast %add3A_234 : vector<16xf32> to vector<16xf32>
      tpu.vector_store %arg11[%swap3A_235], %swap3A_238 {strides = array<i32>} : memref<16xf32, #tpu.memory_space<vmem>>, vector<16xf32>,
    }
    %scan3A_105 = arith.constant 25 : i32
    %dma_wait3A = arith.constant 0 : i32
    %dma_wait3A_106 = arith.constant 0 : i32
    %dma_wait3A_107 = arith.constant 3 : i32
    %dma_wait3A_108 = arith.constant 0 : i32
    %dma_wait3A_109 = arith.constant 0 : i32
    %dma_wait3A_110 = arith.constant 0 : i32
    %dma_wait3A_111 = tpu.memref_slice %arg8[%dma_wait3A, %dma_wait3A_109, %dma_wait3A_110] : memref<3x32x1000xf32, #tpu.memory_space<vmem>> -> memref<1x32x1000xf32, #tpu.memory_space<vmem>>
    %dma_wait3A_112 = tpu.memref_squeeze %dma_wait3A_111 : memref<1x32x1000xf32, #tpu.memory_space<vmem>> -> memref<32x1000xf32, #tpu.memory_space<vmem>>
    %dma_wait3A_113 = arith.constant 0 : i32
    %dma_wait3A_114 = tpu.memref_slice %arg7[%dma_wait3A_106, %dma_wait3A_107, %dma_wait3A_113] : memref<3x4x32xi32, #tpu.memory_space<vmem>> -> memref<1x1x32xi32, #tpu.memory_space<vmem>>
    %dma_wait3A_115 = tpu.memref_squeeze %dma_wait3A_114 : memref<1x1x32xi32, #tpu.memory_space<vmem>> -> memref<32xi32, #tpu.memory_space<vmem>>
    %dma_wait3A_116 = arith.constant 0 : i32
    %dma_wait3A_117 = arith.constant 0 : i32
    %dma_wait3A_118 = tpu.memref_slice %arg5[%dma_wait3A_116, %dma_wait3A_117] : memref<25600x1000xf32, #tpu.memory_space<hbm>> -> memref<25600x1000xf32, #tpu.memory_space<hbm>>
    %dma_wait3A_119 = tpu.memref_slice %arg13[%dma_wait3A_108] : memref<3x!tpu.dma_semaphore, #tpu.memory_space<semaphore_mem>> -> memref<1x!tpu.dma_semaphore, #tpu.memory_space<semaphore_mem>>
    %dma_wait3A_120 = tpu.memref_squeeze %dma_wait3A_119 : memref<1x!tpu.dma_semaphore, #tpu.memory_space<semaphore_mem>> -> memref<!tpu.dma_semaphore, #tpu.memory_space<semaphore_mem>>
    tpu.wait_indirect_dma semaphore(%dma_wait3A_120 : memref<!tpu.dma_semaphore, #tpu.memory_space<semaphore_mem>>) src(%dma_wait3A_112 : memref<32x1000xf32, #tpu.memory_space<vmem>>) dst(%dma_wait3A_118 : memref<25600x1000xf32, #tpu.memory_space<hbm>>)
    %dma_wait3A_121 = arith.constant 1 : i32
    %dma_wait3A_122 = arith.constant 1 : i32
    %dma_wait3A_123 = arith.constant 3 : i32
    %dma_wait3A_124 = arith.constant 1 : i32
    %dma_wait3A_125 = arith.constant 0 : i32
    %dma_wait3A_126 = arith.constant 0 : i32
    %dma_wait3A_127 = tpu.memref_slice %arg8[%dma_wait3A_121, %dma_wait3A_125, %dma_wait3A_126] : memref<3x32x1000xf32, #tpu.memory_space<vmem>> -> memref<1x32x1000xf32, #tpu.memory_space<vmem>>
    %dma_wait3A_128 = tpu.memref_squeeze %dma_wait3A_127 : memref<1x32x1000xf32, #tpu.memory_space<vmem>> -> memref<32x1000xf32, #tpu.memory_space<vmem>>
    %dma_wait3A_129 = arith.constant 0 : i32
    %dma_wait3A_130 = tpu.memref_slice %arg7[%dma_wait3A_122, %dma_wait3A_123, %dma_wait3A_129] : memref<3x4x32xi32, #tpu.memory_space<vmem>> -> memref<1x1x32xi32, #tpu.memory_space<vmem>>
    %dma_wait3A_131 = tpu.memref_squeeze %dma_wait3A_130 : memref<1x1x32xi32, #tpu.memory_space<vmem>> -> memref<32xi32, #tpu.memory_space<vmem>>
    %dma_wait3A_132 = arith.constant 0 : i32
    %dma_wait3A_133 = arith.constant 0 : i32
    %dma_wait3A_134 = tpu.memref_slice %arg5[%dma_wait3A_132, %dma_wait3A_133] : memref<25600x1000xf32, #tpu.memory_space<hbm>> -> memref<25600x1000xf32, #tpu.memory_space<hbm>>
    %dma_wait3A_135 = tpu.memref_slice %arg13[%dma_wait3A_124] : memref<3x!tpu.dma_semaphore, #tpu.memory_space<semaphore_mem>> -> memref<1x!tpu.dma_semaphore, #tpu.memory_space<semaphore_mem>>
    %dma_wait3A_136 = tpu.memref_squeeze %dma_wait3A_135 : memref<1x!tpu.dma_semaphore, #tpu.memory_space<semaphore_mem>> -> memref<!tpu.dma_semaphore, #tpu.memory_space<semaphore_mem>>
    tpu.wait_indirect_dma semaphore(%dma_wait3A_136 : memref<!tpu.dma_semaphore, #tpu.memory_space<semaphore_mem>>) src(%dma_wait3A_128 : memref<32x1000xf32, #tpu.memory_space<vmem>>) dst(%dma_wait3A_134 : memref<25600x1000xf32, #tpu.memory_space<hbm>>)
    %dma_wait3A_137 = arith.constant 2 : i32
    %dma_wait3A_138 = arith.constant 2 : i32
    %dma_wait3A_139 = arith.constant 3 : i32
    %dma_wait3A_140 = arith.constant 2 : i32
    %dma_wait3A_141 = arith.constant 0 : i32
    %dma_wait3A_142 = arith.constant 0 : i32
    %dma_wait3A_143 = tpu.memref_slice %arg8[%dma_wait3A_137, %dma_wait3A_141, %dma_wait3A_142] : memref<3x32x1000xf32, #tpu.memory_space<vmem>> -> memref<1x32x1000xf32, #tpu.memory_space<vmem>>
    %dma_wait3A_144 = tpu.memref_squeeze %dma_wait3A_143 : memref<1x32x1000xf32, #tpu.memory_space<vmem>> -> memref<32x1000xf32, #tpu.memory_space<vmem>>
    %dma_wait3A_145 = arith.constant 0 : i32
    %dma_wait3A_146 = tpu.memref_slice %arg7[%dma_wait3A_138, %dma_wait3A_139, %dma_wait3A_145] : memref<3x4x32xi32, #tpu.memory_space<vmem>> -> memref<1x1x32xi32, #tpu.memory_space<vmem>>
    %dma_wait3A_147 = tpu.memref_squeeze %dma_wait3A_146 : memref<1x1x32xi32, #tpu.memory_space<vmem>> -> memref<32xi32, #tpu.memory_space<vmem>>
    %dma_wait3A_148 = arith.constant 0 : i32
    %dma_wait3A_149 = arith.constant 0 : i32
    %dma_wait3A_150 = tpu.memref_slice %arg5[%dma_wait3A_148, %dma_wait3A_149] : memref<25600x1000xf32, #tpu.memory_space<hbm>> -> memref<25600x1000xf32, #tpu.memory_space<hbm>>
    %dma_wait3A_151 = tpu.memref_slice %arg13[%dma_wait3A_140] : memref<3x!tpu.dma_semaphore, #tpu.memory_space<semaphore_mem>> -> memref<1x!tpu.dma_semaphore, #tpu.memory_space<semaphore_mem>>
    %dma_wait3A_152 = tpu.memref_squeeze %dma_wait3A_151 : memref<1x!tpu.dma_semaphore, #tpu.memory_space<semaphore_mem>> -> memref<!tpu.dma_semaphore, #tpu.memory_space<semaphore_mem>>
    tpu.wait_indirect_dma semaphore(%dma_wait3A_152 : memref<!tpu.dma_semaphore, #tpu.memory_space<semaphore_mem>>) src(%dma_wait3A_144 : memref<32x1000xf32, #tpu.memory_space<vmem>>) dst(%dma_wait3A_150 : memref<25600x1000xf32, #tpu.memory_space<hbm>>)
    "tpu.region"() ({
      %run_scoped3A_153 = tpu.sem_alloc : memref<!tpu.dma_semaphore, #tpu.memory_space<semaphore_mem>>
      %dma_start3A_154 = arith.constant 0 : i32
      %dma_start3A_155 = tpu.memref_slice %arg6[%add3A, %dma_start3A_154] : memref<32x16xf32, #tpu.memory_space<hbm>> -> memref<1x16xf32, #tpu.memory_space<hbm>>
      %dma_start3A_156 = tpu.memref_squeeze %dma_start3A_155 : memref<1x16xf32, #tpu.memory_space<hbm>> -> memref<16xf32, #tpu.memory_space<hbm>>
      %dma_start3A_157 = arith.constant 0 : i32
      %dma_start3A_158 = tpu.memref_slice %arg6[%add3A, %dma_start3A_157] : memref<32x16xf32, #tpu.memory_space<hbm>> -> memref<1x16xf32, #tpu.memory_space<hbm>>
      %dma_start3A_159 = tpu.memref_squeeze %dma_start3A_158 : memref<1x16xf32, #tpu.memory_space<hbm>> -> memref<16xf32, #tpu.memory_space<hbm>>
      tpu.enqueue_dma source(%arg11 : memref<16xf32, #tpu.memory_space<vmem>>) target(%dma_start3A_159 : memref<16xf32, #tpu.memory_space<hbm>>) target_semaphore(%run_scoped3A_153 : memref<!tpu.dma_semaphore, #tpu.memory_space<semaphore_mem>>)
      %dma_wait3A_160 = arith.constant 0 : i32
      %dma_wait3A_161 = tpu.memref_slice %arg6[%add3A, %dma_wait3A_160] : memref<32x16xf32, #tpu.memory_space<hbm>> -> memref<1x16xf32, #tpu.memory_space<hbm>>
      %dma_wait3A_162 = tpu.memref_squeeze %dma_wait3A_161 : memref<1x16xf32, #tpu.memory_space<hbm>> -> memref<16xf32, #tpu.memory_space<hbm>>
      %dma_wait3A_163 = arith.constant 0 : i32
      %dma_wait3A_164 = tpu.memref_slice %arg6[%add3A, %dma_wait3A_163] : memref<32x16xf32, #tpu.memory_space<hbm>> -> memref<1x16xf32, #tpu.memory_space<hbm>>
      %dma_wait3A_165 = tpu.memref_squeeze %dma_wait3A_164 : memref<1x16xf32, #tpu.memory_space<hbm>> -> memref<16xf32, #tpu.memory_space<hbm>>
      tpu.wait_dma2 semaphore(%run_scoped3A_153 : memref<!tpu.dma_semaphore, #tpu.memory_space<semaphore_mem>>) src(%arg11 : memref<16xf32, #tpu.memory_space<vmem>>) dst(%dma_wait3A_165 : memref<16xf32, #tpu.memory_space<hbm>>)
      tpu.yield
    }) : () -> ()
    return
  }
}

#map = affine_map<(d0, d1) -> (0, 0)>
#map1 = affine_map<(d0, d1) -> (0)>
#map2 = affine_map<(d0, d1) -> (0, 0, 0)>
module attributes {stable_mosaic.version = 14 : i64} {
  func.func @_sc_body(%arg0: i32, %arg1: i32, %arg2: memref<1000x1000xf32, #tpu.memory_space<hbm>>, %arg3: memref<1001008xf32, #tpu.memory_space<hbm>>, %arg4: memref<800x4x32xi32, #tpu.memory_space<hbm>>, %arg5: memref<25600x1000xf32, #tpu.memory_space<hbm>>, %arg6: memref<32x16xf32, #tpu.memory_space<hbm>>, %arg7: memref<3x4x32xi32, #tpu.memory_space<vmem>>, %arg8: memref<3x32x1000xf32, #tpu.memory_space<vmem>>, %arg9: memref<3x32xf32, #tpu.memory_space<vmem>>, %arg10: memref<3x32xf32, #tpu.memory_space<vmem>>, %arg11: memref<16xf32, #tpu.memory_space<vmem>>, %arg12: memref<3x!tpu.dma_semaphore, #tpu.memory_space<semaphore_mem>>, %arg13: memref<3x!tpu.dma_semaphore, #tpu.memory_space<semaphore_mem>>, %arg14: memref<3x!tpu.dma_semaphore, #tpu.memory_space<semaphore_mem>>, %arg15: memref<3x!tpu.dma_semaphore, #tpu.memory_space<semaphore_mem>>) attributes {dimension_semantics = [#tpu.dimension_semantics<core_parallel>, #tpu.dimension_semantics<subcore_parallel>], iteration_bounds = array<i64: 2, 16>, scalar_prefetch = 0 : i64, scratch_operands = 9 : i64, tpu.core_type = #tpu.core_type<sc_vector_subcore>, window_params = [{transform_indices = #map}, {transform_indices = #map1}, {transform_indices = #map2}, {transform_indices = #map}, {transform_indices = #map}]} {
    %mul3A = arith.constant 2 : i32
    %mul3A_0 = arith.muli %arg1, %mul3A : i32
    %add3A = arith.addi %mul3A_0, %arg0 : i32
    %mul3A_1 = arith.constant 800 : i32
    %mul3A_2 = arith.muli %add3A, %mul3A_1 : i32
    %mul3A_3 = arith.constant 25 : i32
    %mul3A_4 = arith.muli %add3A, %mul3A_3 : i32
    %broadcast_in_dim3A = arith.constant 0.000000e+00 : f32
    %broadcast_in_dim3A_5 = vector.broadcast %broadcast_in_dim3A : f32 to vector<16xf32>
    %swap3A = arith.constant 0 : index
    %swap3A_6 = tpu.vector_load %arg11[%swap3A] {strides = array<i32>} : memref<16xf32, #tpu.memory_space<vmem>>, vector<16xf32>,
    %swap3A_7 = vector.shape_cast %swap3A_6 : vector<16xf32> to vector<16xf32>
    %swap3A_8 = vector.shape_cast %broadcast_in_dim3A_5 : vector<16xf32> to vector<16xf32>
    tpu.vector_store %arg11[%swap3A], %swap3A_8 {strides = array<i32>} : memref<16xf32, #tpu.memory_space<vmem>>, vector<16xf32>,
    %add3A_9 = arith.constant 0 : i32
    %add3A_10 = arith.addi %mul3A_4, %add3A_9 : i32
    %run_scoped3A = arith.constant 0 : i32
    "tpu.region"() ({
      %run_scoped3A_153 = tpu.sem_alloc : memref<!tpu.dma_semaphore, #tpu.memory_space<semaphore_mem>>
      %dma_start3A_154 = arith.constant 0 : i32
      %dma_start3A_155 = arith.constant 0 : i32
      %dma_start3A_156 = tpu.memref_slice %arg7[%run_scoped3A, %dma_start3A_154, %dma_start3A_155] : memref<3x4x32xi32, #tpu.memory_space<vmem>> -> memref<1x4x32xi32, #tpu.memory_space<vmem>>
      %dma_start3A_157 = tpu.memref_squeeze %dma_start3A_156 : memref<1x4x32xi32, #tpu.memory_space<vmem>> -> memref<4x32xi32, #tpu.memory_space<vmem>>
      %dma_start3A_158 = arith.constant 0 : i32
      %dma_start3A_159 = arith.constant 0 : i32
      %dma_start3A_160 = tpu.memref_slice %arg4[%add3A_10, %dma_start3A_158, %dma_start3A_159] : memref<800x4x32xi32, #tpu.memory_space<hbm>> -> memref<1x4x32xi32, #tpu.memory_space<hbm>>
      %dma_start3A_161 = tpu.memref_squeeze %dma_start3A_160 : memref<1x4x32xi32, #tpu.memory_space<hbm>> -> memref<4x32xi32, #tpu.memory_space<hbm>>
      %dma_start3A_162 = arith.constant 0 : i32
      %dma_start3A_163 = arith.constant 0 : i32
      %dma_start3A_164 = tpu.memref_slice %arg7[%run_scoped3A, %dma_start3A_162, %dma_start3A_163] : memref<3x4x32xi32, #tpu.memory_space<vmem>> -> memref<1x4x32xi32, #tpu.memory_space<vmem>>
      %dma_start3A_165 = tpu.memref_squeeze %dma_start3A_164 : memref<1x4x32xi32, #tpu.memory_space<vmem>> -> memref<4x32xi32, #tpu.memory_space<vmem>>
      %dma_start3A_166 = arith.constant 0 : i32
      %dma_start3A_167 = arith.constant 0 : i32
      %dma_start3A_168 = tpu.memref_slice %arg4[%add3A_10, %dma_start3A_166, %dma_start3A_167] : memref<800x4x32xi32, #tpu.memory_space<hbm>> -> memref<1x4x32xi32, #tpu.memory_space<hbm>>
      %dma_start3A_169 = tpu.memref_squeeze %dma_start3A_168 : memref<1x4x32xi32, #tpu.memory_space<hbm>> -> memref<4x32xi32, #tpu.memory_space<hbm>>
      tpu.enqueue_dma source(%dma_start3A_169 : memref<4x32xi32, #tpu.memory_space<hbm>>) target(%dma_start3A_165 : memref<4x32xi32, #tpu.memory_space<vmem>>) target_semaphore(%run_scoped3A_153 : memref<!tpu.dma_semaphore, #tpu.memory_space<semaphore_mem>>)
      %dma_wait3A_170 = arith.constant 0 : i32
      %dma_wait3A_171 = arith.constant 0 : i32
      %dma_wait3A_172 = tpu.memref_slice %arg7[%run_scoped3A, %dma_wait3A_170, %dma_wait3A_171] : memref<3x4x32xi32, #tpu.memory_space<vmem>> -> memref<1x4x32xi32, #tpu.memory_space<vmem>>
      %dma_wait3A_173 = tpu.memref_squeeze %dma_wait3A_172 : memref<1x4x32xi32, #tpu.memory_space<vmem>> -> memref<4x32xi32, #tpu.memory_space<vmem>>
      %dma_wait3A_174 = arith.constant 0 : i32
      %dma_wait3A_175 = arith.constant 0 : i32
      %dma_wait3A_176 = tpu.memref_slice %arg4[%add3A_10, %dma_wait3A_174, %dma_wait3A_175] : memref<800x4x32xi32, #tpu.memory_space<hbm>> -> memref<1x4x32xi32, #tpu.memory_space<hbm>>
      %dma_wait3A_177 = tpu.memref_squeeze %dma_wait3A_176 : memref<1x4x32xi32, #tpu.memory_space<hbm>> -> memref<4x32xi32, #tpu.memory_space<hbm>>
      %dma_wait3A_178 = arith.constant 0 : i32
      %dma_wait3A_179 = arith.constant 0 : i32
      %dma_wait3A_180 = tpu.memref_slice %arg7[%run_scoped3A, %dma_wait3A_178, %dma_wait3A_179] : memref<3x4x32xi32, #tpu.memory_space<vmem>> -> memref<1x4x32xi32, #tpu.memory_space<vmem>>
      %dma_wait3A_181 = tpu.memref_squeeze %dma_wait3A_180 : memref<1x4x32xi32, #tpu.memory_space<vmem>> -> memref<4x32xi32, #tpu.memory_space<vmem>>
      %dma_wait3A_182 = arith.constant 0 : i32
      %dma_wait3A_183 = arith.constant 0 : i32
      %dma_wait3A_184 = tpu.memref_slice %arg4[%add3A_10, %dma_wait3A_182, %dma_wait3A_183] : memref<800x4x32xi32, #tpu.memory_space<hbm>> -> memref<1x4x32xi32, #tpu.memory_space<hbm>>
      %dma_wait3A_185 = tpu.memref_squeeze %dma_wait3A_184 : memref<1x4x32xi32, #tpu.memory_space<hbm>> -> memref<4x32xi32, #tpu.memory_space<hbm>>
      tpu.wait_dma2 semaphore(%run_scoped3A_153 : memref<!tpu.dma_semaphore, #tpu.memory_space<semaphore_mem>>) src(%dma_wait3A_185 : memref<4x32xi32, #tpu.memory_space<hbm>>) dst(%dma_wait3A_181 : memref<4x32xi32, #tpu.memory_space<vmem>>)
      tpu.yield
    }) : () -> ()
    %dma_start3A = arith.constant 0 : i32
    %dma_start3A_11 = arith.constant 0 : i32
    %dma_start3A_12 = arith.constant 0 : i32
    %dma_start3A_13 = arith.constant 0 : i32
    %dma_start3A_14 = arith.constant 0 : i32
    %dma_start3A_15 = arith.constant 0 : i32
    %dma_start3A_16 = tpu.memref_slice %arg8[%dma_start3A_12, %dma_start3A_14, %dma_start3A_15] : memref<3x32x1000xf32, #tpu.memory_space<vmem>> -> memref<1x32x1000xf32, #tpu.memory_space<vmem>>
    %dma_start3A_17 = tpu.memref_squeeze %dma_start3A_16 : memref<1x32x1000xf32, #tpu.memory_space<vmem>> -> memref<32x1000xf32, #tpu.memory_space<vmem>>
    %dma_start3A_18 = arith.constant 0 : i32
    %dma_start3A_19 = tpu.memref_slice %arg7[%dma_start3A, %dma_start3A_11, %dma_start3A_18] : memref<3x4x32xi32, #tpu.memory_space<vmem>> -> memref<1x1x32xi32, #tpu.memory_space<vmem>>
    %dma_start3A_20 = tpu.memref_squeeze %dma_start3A_19 : memref<1x1x32xi32, #tpu.memory_space<vmem>> -> memref<32xi32, #tpu.memory_space<vmem>>
    %dma_start3A_21 = arith.constant 0 : i32
    %dma_start3A_22 = arith.constant 0 : i32
    %dma_start3A_23 = tpu.memref_slice %arg2[%dma_start3A_21, %dma_start3A_22] : memref<1000x1000xf32, #tpu.memory_space<hbm>> -> memref<1000x1000xf32, #tpu.memory_space<hbm>>
    %dma_start3A_24 = tpu.memref_slice %arg12[%dma_start3A_13] : memref<3x!tpu.dma_semaphore, #tpu.memory_space<semaphore_mem>> -> memref<1x!tpu.dma_semaphore, #tpu.memory_space<semaphore_mem>>
    %dma_start3A_25 = tpu.memref_squeeze %dma_start3A_24 : memref<1x!tpu.dma_semaphore, #tpu.memory_space<semaphore_mem>> -> memref<!tpu.dma_semaphore, #tpu.memory_space<semaphore_mem>>
    tpu.enqueue_indirect_dma source(%dma_start3A_23 : memref<1000x1000xf32, #tpu.memory_space<hbm>>) target(%dma_start3A_17 : memref<32x1000xf32, #tpu.memory_space<vmem>>) offsets(%dma_start3A_20 : memref<32xi32, #tpu.memory_space<vmem>>) semaphore(%dma_start3A_25 : memref<!tpu.dma_semaphore, #tpu.memory_space<semaphore_mem>>)
    %dma_start3A_26 = arith.constant 0 : i32
    %dma_start3A_27 = arith.constant 1 : i32
    %dma_start3A_28 = arith.constant 0 : i32
    %dma_start3A_29 = arith.constant 0 : i32
    %dma_start3A_30 = arith.constant 0 : i32
    %dma_start3A_31 = tpu.memref_slice %arg9[%dma_start3A_28, %dma_start3A_30] : memref<3x32xf32, #tpu.memory_space<vmem>> -> memref<1x32xf32, #tpu.memory_space<vmem>>
    %dma_start3A_32 = tpu.memref_squeeze %dma_start3A_31 : memref<1x32xf32, #tpu.memory_space<vmem>> -> memref<32xf32, #tpu.memory_space<vmem>>
    %dma_start3A_33 = arith.constant 0 : i32
    %dma_start3A_34 = tpu.memref_slice %arg7[%dma_start3A_26, %dma_start3A_27, %dma_start3A_33] : memref<3x4x32xi32, #tpu.memory_space<vmem>> -> memref<1x1x32xi32, #tpu.memory_space<vmem>>
    %dma_start3A_35 = tpu.memref_squeeze %dma_start3A_34 : memref<1x1x32xi32, #tpu.memory_space<vmem>> -> memref<32xi32, #tpu.memory_space<vmem>>
    %dma_start3A_36 = arith.constant 0 : i32
    %dma_start3A_37 = tpu.memref_slice %arg3[%dma_start3A_36] : memref<1001008xf32, #tpu.memory_space<hbm>> -> memref<1001008xf32, #tpu.memory_space<hbm>>
    %dma_start3A_38 = tpu.memref_slice %arg14[%dma_start3A_29] : memref<3x!tpu.dma_semaphore, #tpu.memory_space<semaphore_mem>> -> memref<1x!tpu.dma_semaphore, #tpu.memory_space<semaphore_mem>>
    %dma_start3A_39 = tpu.memref_squeeze %dma_start3A_38 : memref<1x!tpu.dma_semaphore, #tpu.memory_space<semaphore_mem>> -> memref<!tpu.dma_semaphore, #tpu.memory_space<semaphore_mem>>
    tpu.enqueue_indirect_dma source(%dma_start3A_37 : memref<1001008xf32, #tpu.memory_space<hbm>>) target(%dma_start3A_32 : memref<32xf32, #tpu.memory_space<vmem>>) offsets(%dma_start3A_35 : memref<32xi32, #tpu.memory_space<vmem>>) semaphore(%dma_start3A_39 : memref<!tpu.dma_semaphore, #tpu.memory_space<semaphore_mem>>)
    %dma_start3A_40 = arith.constant 0 : i32
    %dma_start3A_41 = arith.constant 2 : i32
    %dma_start3A_42 = arith.constant 0 : i32
    %dma_start3A_43 = arith.constant 0 : i32
    %dma_start3A_44 = arith.constant 0 : i32
    %dma_start3A_45 = tpu.memref_slice %arg10[%dma_start3A_42, %dma_start3A_44] : memref<3x32xf32, #tpu.memory_space<vmem>> -> memref<1x32xf32, #tpu.memory_space<vmem>>
    %dma_start3A_46 = tpu.memref_squeeze %dma_start3A_45 : memref<1x32xf32, #tpu.memory_space<vmem>> -> memref<32xf32, #tpu.memory_space<vmem>>
    %dma_start3A_47 = arith.constant 0 : i32
    %dma_start3A_48 = tpu.memref_slice %arg7[%dma_start3A_40, %dma_start3A_41, %dma_start3A_47] : memref<3x4x32xi32, #tpu.memory_space<vmem>> -> memref<1x1x32xi32, #tpu.memory_space<vmem>>
    %dma_start3A_49 = tpu.memref_squeeze %dma_start3A_48 : memref<1x1x32xi32, #tpu.memory_space<vmem>> -> memref<32xi32, #tpu.memory_space<vmem>>
    %dma_start3A_50 = arith.constant 0 : i32
    %dma_start3A_51 = tpu.memref_slice %arg3[%dma_start3A_50] : memref<1001008xf32, #tpu.memory_space<hbm>> -> memref<1001008xf32, #tpu.memory_space<hbm>>
    %dma_start3A_52 = tpu.memref_slice %arg15[%dma_start3A_43] : memref<3x!tpu.dma_semaphore, #tpu.memory_space<semaphore_mem>> -> memref<1x!tpu.dma_semaphore, #tpu.memory_space<semaphore_mem>>
    %dma_start3A_53 = tpu.memref_squeeze %dma_start3A_52 : memref<1x!tpu.dma_semaphore, #tpu.memory_space<semaphore_mem>> -> memref<!tpu.dma_semaphore, #tpu.memory_space<semaphore_mem>>
    tpu.enqueue_indirect_dma source(%dma_start3A_51 : memref<1001008xf32, #tpu.memory_space<hbm>>) target(%dma_start3A_46 : memref<32xf32, #tpu.memory_space<vmem>>) offsets(%dma_start3A_49 : memref<32xi32, #tpu.memory_space<vmem>>) semaphore(%dma_start3A_53 : memref<!tpu.dma_semaphore, #tpu.memory_space<semaphore_mem>>)
    %add3A_54 = arith.constant 1 : i32
    %add3A_55 = arith.addi %mul3A_4, %add3A_54 : i32
    %run_scoped3A_56 = arith.constant 1 : i32
    "tpu.region"() ({
      %run_scoped3A_153 = tpu.sem_alloc : memref<!tpu.dma_semaphore, #tpu.memory_space<semaphore_mem>>
      %dma_start3A_154 = arith.constant 0 : i32
      %dma_start3A_155 = arith.constant 0 : i32
      %dma_start3A_156 = tpu.memref_slice %arg7[%run_scoped3A_56, %dma_start3A_154, %dma_start3A_155] : memref<3x4x32xi32, #tpu.memory_space<vmem>> -> memref<1x4x32xi32, #tpu.memory_space<vmem>>
      %dma_start3A_157 = tpu.memref_squeeze %dma_start3A_156 : memref<1x4x32xi32, #tpu.memory_space<vmem>> -> memref<4x32xi32, #tpu.memory_space<vmem>>
      %dma_start3A_158 = arith.constant 0 : i32
      %dma_start3A_159 = arith.constant 0 : i32
      %dma_start3A_160 = tpu.memref_slice %arg4[%add3A_55, %dma_start3A_158, %dma_start3A_159] : memref<800x4x32xi32, #tpu.memory_space<hbm>> -> memref<1x4x32xi32, #tpu.memory_space<hbm>>
      %dma_start3A_161 = tpu.memref_squeeze %dma_start3A_160 : memref<1x4x32xi32, #tpu.memory_space<hbm>> -> memref<4x32xi32, #tpu.memory_space<hbm>>
      %dma_start3A_162 = arith.constant 0 : i32
      %dma_start3A_163 = arith.constant 0 : i32
      %dma_start3A_164 = tpu.memref_slice %arg7[%run_scoped3A_56, %dma_start3A_162, %dma_start3A_163] : memref<3x4x32xi32, #tpu.memory_space<vmem>> -> memref<1x4x32xi32, #tpu.memory_space<vmem>>
      %dma_start3A_165 = tpu.memref_squeeze %dma_start3A_164 : memref<1x4x32xi32, #tpu.memory_space<vmem>> -> memref<4x32xi32, #tpu.memory_space<vmem>>
      %dma_start3A_166 = arith.constant 0 : i32
      %dma_start3A_167 = arith.constant 0 : i32
      %dma_start3A_168 = tpu.memref_slice %arg4[%add3A_55, %dma_start3A_166, %dma_start3A_167] : memref<800x4x32xi32, #tpu.memory_space<hbm>> -> memref<1x4x32xi32, #tpu.memory_space<hbm>>
      %dma_start3A_169 = tpu.memref_squeeze %dma_start3A_168 : memref<1x4x32xi32, #tpu.memory_space<hbm>> -> memref<4x32xi32, #tpu.memory_space<hbm>>
      tpu.enqueue_dma source(%dma_start3A_169 : memref<4x32xi32, #tpu.memory_space<hbm>>) target(%dma_start3A_165 : memref<4x32xi32, #tpu.memory_space<vmem>>) target_semaphore(%run_scoped3A_153 : memref<!tpu.dma_semaphore, #tpu.memory_space<semaphore_mem>>)
      %dma_wait3A_170 = arith.constant 0 : i32
      %dma_wait3A_171 = arith.constant 0 : i32
      %dma_wait3A_172 = tpu.memref_slice %arg7[%run_scoped3A_56, %dma_wait3A_170, %dma_wait3A_171] : memref<3x4x32xi32, #tpu.memory_space<vmem>> -> memref<1x4x32xi32, #tpu.memory_space<vmem>>
      %dma_wait3A_173 = tpu.memref_squeeze %dma_wait3A_172 : memref<1x4x32xi32, #tpu.memory_space<vmem>> -> memref<4x32xi32, #tpu.memory_space<vmem>>
      %dma_wait3A_174 = arith.constant 0 : i32
      %dma_wait3A_175 = arith.constant 0 : i32
      %dma_wait3A_176 = tpu.memref_slice %arg4[%add3A_55, %dma_wait3A_174, %dma_wait3A_175] : memref<800x4x32xi32, #tpu.memory_space<hbm>> -> memref<1x4x32xi32, #tpu.memory_space<hbm>>
      %dma_wait3A_177 = tpu.memref_squeeze %dma_wait3A_176 : memref<1x4x32xi32, #tpu.memory_space<hbm>> -> memref<4x32xi32, #tpu.memory_space<hbm>>
      %dma_wait3A_178 = arith.constant 0 : i32
      %dma_wait3A_179 = arith.constant 0 : i32
      %dma_wait3A_180 = tpu.memref_slice %arg7[%run_scoped3A_56, %dma_wait3A_178, %dma_wait3A_179] : memref<3x4x32xi32, #tpu.memory_space<vmem>> -> memref<1x4x32xi32, #tpu.memory_space<vmem>>
      %dma_wait3A_181 = tpu.memref_squeeze %dma_wait3A_180 : memref<1x4x32xi32, #tpu.memory_space<vmem>> -> memref<4x32xi32, #tpu.memory_space<vmem>>
      %dma_wait3A_182 = arith.constant 0 : i32
      %dma_wait3A_183 = arith.constant 0 : i32
      %dma_wait3A_184 = tpu.memref_slice %arg4[%add3A_55, %dma_wait3A_182, %dma_wait3A_183] : memref<800x4x32xi32, #tpu.memory_space<hbm>> -> memref<1x4x32xi32, #tpu.memory_space<hbm>>
      %dma_wait3A_185 = tpu.memref_squeeze %dma_wait3A_184 : memref<1x4x32xi32, #tpu.memory_space<hbm>> -> memref<4x32xi32, #tpu.memory_space<hbm>>
      tpu.wait_dma2 semaphore(%run_scoped3A_153 : memref<!tpu.dma_semaphore, #tpu.memory_space<semaphore_mem>>) src(%dma_wait3A_185 : memref<4x32xi32, #tpu.memory_space<hbm>>) dst(%dma_wait3A_181 : memref<4x32xi32, #tpu.memory_space<vmem>>)
      tpu.yield
    }) : () -> ()
    %dma_start3A_57 = arith.constant 1 : i32
    %dma_start3A_58 = arith.constant 0 : i32
    %dma_start3A_59 = arith.constant 1 : i32
    %dma_start3A_60 = arith.constant 1 : i32
    %dma_start3A_61 = arith.constant 0 : i32
    %dma_start3A_62 = arith.constant 0 : i32
    %dma_start3A_63 = tpu.memref_slice %arg8[%dma_start3A_59, %dma_start3A_61, %dma_start3A_62] : memref<3x32x1000xf32, #tpu.memory_space<vmem>> -> memref<1x32x1000xf32, #tpu.memory_space<vmem>>
    %dma_start3A_64 = tpu.memref_squeeze %dma_start3A_63 : memref<1x32x1000xf32, #tpu.memory_space<vmem>> -> memref<32x1000xf32, #tpu.memory_space<vmem>>
    %dma_start3A_65 = arith.constant 0 : i32
    %dma_start3A_66 = tpu.memref_slice %arg7[%dma_start3A_57, %dma_start3A_58, %dma_start3A_65] : memref<3x4x32xi32, #tpu.memory_space<vmem>> -> memref<1x1x32xi32, #tpu.memory_space<vmem>>
    %dma_start3A_67 = tpu.memref_squeeze %dma_start3A_66 : memref<1x1x32xi32, #tpu.memory_space<vmem>> -> memref<32xi32, #tpu.memory_space<vmem>>
    %dma_start3A_68 = arith.constant 0 : i32
    %dma_start3A_69 = arith.constant 0 : i32
    %dma_start3A_70 = tpu.memref_slice %arg2[%dma_start3A_68, %dma_start3A_69] : memref<1000x1000xf32, #tpu.memory_space<hbm>> -> memref<1000x1000xf32, #tpu.memory_space<hbm>>
    %dma_start3A_71 = tpu.memref_slice %arg12[%dma_start3A_60] : memref<3x!tpu.dma_semaphore, #tpu.memory_space<semaphore_mem>> -> memref<1x!tpu.dma_semaphore, #tpu.memory_space<semaphore_mem>>
    %dma_start3A_72 = tpu.memref_squeeze %dma_start3A_71 : memref<1x!tpu.dma_semaphore, #tpu.memory_space<semaphore_mem>> -> memref<!tpu.dma_semaphore, #tpu.memory_space<semaphore_mem>>
    tpu.enqueue_indirect_dma source(%dma_start3A_70 : memref<1000x1000xf32, #tpu.memory_space<hbm>>) target(%dma_start3A_64 : memref<32x1000xf32, #tpu.memory_space<vmem>>) offsets(%dma_start3A_67 : memref<32xi32, #tpu.memory_space<vmem>>) semaphore(%dma_start3A_72 : memref<!tpu.dma_semaphore, #tpu.memory_space<semaphore_mem>>)
    %dma_start3A_73 = arith.constant 1 : i32
    %dma_start3A_74 = arith.constant 1 : i32
    %dma_start3A_75 = arith.constant 1 : i32
    %dma_start3A_76 = arith.constant 1 : i32
    %dma_start3A_77 = arith.constant 0 : i32
    %dma_start3A_78 = tpu.memref_slice %arg9[%dma_start3A_75, %dma_start3A_77] : memref<3x32xf32, #tpu.memory_space<vmem>> -> memref<1x32xf32, #tpu.memory_space<vmem>>
    %dma_start3A_79 = tpu.memref_squeeze %dma_start3A_78 : memref<1x32xf32, #tpu.memory_space<vmem>> -> memref<32xf32, #tpu.memory_space<vmem>>
    %dma_start3A_80 = arith.constant 0 : i32
    %dma_start3A_81 = tpu.memref_slice %arg7[%dma_start3A_73, %dma_start3A_74, %dma_start3A_80] : memref<3x4x32xi32, #tpu.memory_space<vmem>> -> memref<1x1x32xi32, #tpu.memory_space<vmem>>
    %dma_start3A_82 = tpu.memref_squeeze %dma_start3A_81 : memref<1x1x32xi32, #tpu.memory_space<vmem>> -> memref<32xi32, #tpu.memory_space<vmem>>
    %dma_start3A_83 = arith.constant 0 : i32
    %dma_start3A_84 = tpu.memref_slice %arg3[%dma_start3A_83] : memref<1001008xf32, #tpu.memory_space<hbm>> -> memref<1001008xf32, #tpu.memory_space<hbm>>
    %dma_start3A_85 = tpu.memref_slice %arg14[%dma_start3A_76] : memref<3x!tpu.dma_semaphore, #tpu.memory_space<semaphore_mem>> -> memref<1x!tpu.dma_semaphore, #tpu.memory_space<semaphore_mem>>
    %dma_start3A_86 = tpu.memref_squeeze %dma_start3A_85 : memref<1x!tpu.dma_semaphore, #tpu.memory_space<semaphore_mem>> -> memref<!tpu.dma_semaphore, #tpu.memory_space<semaphore_mem>>
    tpu.enqueue_indirect_dma source(%dma_start3A_84 : memref<1001008xf32, #tpu.memory_space<hbm>>) target(%dma_start3A_79 : memref<32xf32, #tpu.memory_space<vmem>>) offsets(%dma_start3A_82 : memref<32xi32, #tpu.memory_space<vmem>>) semaphore(%dma_start3A_86 : memref<!tpu.dma_semaphore, #tpu.memory_space<semaphore_mem>>)
    %dma_start3A_87 = arith.constant 1 : i32
    %dma_start3A_88 = arith.constant 2 : i32
    %dma_start3A_89 = arith.constant 1 : i32
    %dma_start3A_90 = arith.constant 1 : i32
    %dma_start3A_91 = arith.constant 0 : i32
    %dma_start3A_92 = tpu.memref_slice %arg10[%dma_start3A_89, %dma_start3A_91] : memref<3x32xf32, #tpu.memory_space<vmem>> -> memref<1x32xf32, #tpu.memory_space<vmem>>
    %dma_start3A_93 = tpu.memref_squeeze %dma_start3A_92 : memref<1x32xf32, #tpu.memory_space<vmem>> -> memref<32xf32, #tpu.memory_space<vmem>>
    %dma_start3A_94 = arith.constant 0 : i32
    %dma_start3A_95 = tpu.memref_slice %arg7[%dma_start3A_87, %dma_start3A_88, %dma_start3A_94] : memref<3x4x32xi32, #tpu.memory_space<vmem>> -> memref<1x1x32xi32, #tpu.memory_space<vmem>>
    %dma_start3A_96 = tpu.memref_squeeze %dma_start3A_95 : memref<1x1x32xi32, #tpu.memory_space<vmem>> -> memref<32xi32, #tpu.memory_space<vmem>>
    %dma_start3A_97 = arith.constant 0 : i32
    %dma_start3A_98 = tpu.memref_slice %arg3[%dma_start3A_97] : memref<1001008xf32, #tpu.memory_space<hbm>> -> memref<1001008xf32, #tpu.memory_space<hbm>>
    %dma_start3A_99 = tpu.memref_slice %arg15[%dma_start3A_90] : memref<3x!tpu.dma_semaphore, #tpu.memory_space<semaphore_mem>> -> memref<1x!tpu.dma_semaphore, #tpu.memory_space<semaphore_mem>>
    %dma_start3A_100 = tpu.memref_squeeze %dma_start3A_99 : memref<1x!tpu.dma_semaphore, #tpu.memory_space<semaphore_mem>> -> memref<!tpu.dma_semaphore, #tpu.memory_space<semaphore_mem>>
    tpu.enqueue_indirect_dma source(%dma_start3A_98 : memref<1001008xf32, #tpu.memory_space<hbm>>) target(%dma_start3A_93 : memref<32xf32, #tpu.memory_space<vmem>>) offsets(%dma_start3A_96 : memref<32xi32, #tpu.memory_space<vmem>>) semaphore(%dma_start3A_100 : memref<!tpu.dma_semaphore, #tpu.memory_space<semaphore_mem>>)
    %scan3A = arith.constant 0 : i32
    %scan3A_101 = arith.constant 0 : i32
    %scan3A_102 = arith.constant 25 : i32
    %scan3A_103 = arith.addi %scan3A_101, %scan3A_102 : i32
    %scan3A_104 = arith.constant 1 : i32
    scf.for %scan3A_153 = %scan3A_101 to %scan3A_103 step %scan3A_104  : i32 {
      %rem3A = arith.constant 3 : i32
      %rem3A_154 = arith.remsi %scan3A_153, %rem3A : i32
      %add3A_155 = arith.constant 2 : i32
      %add3A_156 = arith.addi %scan3A_153, %add3A_155 : i32
      %lt3A = arith.constant 25 : i32
      %lt3A_157 = arith.cmpi slt, %add3A_156, %lt3A : i32
      %convert_element_type3A = arith.extui %lt3A_157 : i1 to i32
      %cond3A = arith.constant 0 : i32
      %cond3A_158 = arith.cmpi ne, %convert_element_type3A, %cond3A : i32
      scf.if %cond3A_158 {
        %add3A_239 = arith.constant 2 : i32
        %add3A_240 = arith.addi %scan3A_153, %add3A_239 : i32
        %rem3A_241 = arith.constant 3 : i32
        %rem3A_242 = arith.remsi %add3A_240, %rem3A_241 : i32
        %ge3A = arith.constant 1 : i32
        %ge3A_243 = arith.cmpi sge, %scan3A_153, %ge3A : i32
        %convert_element_type3A_244 = arith.extui %ge3A_243 : i1 to i32
        %cond3A_245 = arith.constant 0 : i32
        %cond3A_246 = arith.cmpi ne, %convert_element_type3A_244, %cond3A_245 : i32
        scf.if %cond3A_246 {
          %dma_wait3A_285 = arith.constant 3 : i32
          %dma_wait3A_286 = arith.constant 0 : i32
          %dma_wait3A_287 = arith.constant 0 : i32
          %dma_wait3A_288 = tpu.memref_slice %arg8[%rem3A_242, %dma_wait3A_286, %dma_wait3A_287] : memref<3x32x1000xf32, #tpu.memory_space<vmem>> -> memref<1x32x1000xf32, #tpu.memory_space<vmem>>
          %dma_wait3A_289 = tpu.memref_squeeze %dma_wait3A_288 : memref<1x32x1000xf32, #tpu.memory_space<vmem>> -> memref<32x1000xf32, #tpu.memory_space<vmem>>
          %dma_wait3A_290 = arith.constant 0 : i32
          %dma_wait3A_291 = tpu.memref_slice %arg7[%rem3A_242, %dma_wait3A_285, %dma_wait3A_290] : memref<3x4x32xi32, #tpu.memory_space<vmem>> -> memref<1x1x32xi32, #tpu.memory_space<vmem>>
          %dma_wait3A_292 = tpu.memref_squeeze %dma_wait3A_291 : memref<1x1x32xi32, #tpu.memory_space<vmem>> -> memref<32xi32, #tpu.memory_space<vmem>>
          %dma_wait3A_293 = arith.constant 0 : i32
          %dma_wait3A_294 = arith.constant 0 : i32
          %dma_wait3A_295 = tpu.memref_slice %arg5[%dma_wait3A_293, %dma_wait3A_294] : memref<25600x1000xf32, #tpu.memory_space<hbm>> -> memref<25600x1000xf32, #tpu.memory_space<hbm>>
          %dma_wait3A_296 = tpu.memref_slice %arg13[%rem3A_242] : memref<3x!tpu.dma_semaphore, #tpu.memory_space<semaphore_mem>> -> memref<1x!tpu.dma_semaphore, #tpu.memory_space<semaphore_mem>>
          %dma_wait3A_297 = tpu.memref_squeeze %dma_wait3A_296 : memref<1x!tpu.dma_semaphore, #tpu.memory_space<semaphore_mem>> -> memref<!tpu.dma_semaphore, #tpu.memory_space<semaphore_mem>>
          tpu.wait_indirect_dma semaphore(%dma_wait3A_297 : memref<!tpu.dma_semaphore, #tpu.memory_space<semaphore_mem>>) src(%dma_wait3A_289 : memref<32x1000xf32, #tpu.memory_space<vmem>>) dst(%dma_wait3A_295 : memref<25600x1000xf32, #tpu.memory_space<hbm>>)
        } else {
        }
        %add3A_247 = arith.constant 2 : i32
        %add3A_248 = arith.addi %scan3A_153, %add3A_247 : i32
        %add3A_249 = arith.addi %mul3A_4, %add3A_248 : i32
        "tpu.region"() ({
          %run_scoped3A_285 = tpu.sem_alloc : memref<!tpu.dma_semaphore, #tpu.memory_space<semaphore_mem>>
          %dma_start3A_286 = arith.constant 0 : i32
          %dma_start3A_287 = arith.constant 0 : i32
          %dma_start3A_288 = tpu.memref_slice %arg7[%rem3A_242, %dma_start3A_286, %dma_start3A_287] : memref<3x4x32xi32, #tpu.memory_space<vmem>> -> memref<1x4x32xi32, #tpu.memory_space<vmem>>
          %dma_start3A_289 = tpu.memref_squeeze %dma_start3A_288 : memref<1x4x32xi32, #tpu.memory_space<vmem>> -> memref<4x32xi32, #tpu.memory_space<vmem>>
          %dma_start3A_290 = arith.constant 0 : i32
          %dma_start3A_291 = arith.constant 0 : i32
          %dma_start3A_292 = tpu.memref_slice %arg4[%add3A_249, %dma_start3A_290, %dma_start3A_291] : memref<800x4x32xi32, #tpu.memory_space<hbm>> -> memref<1x4x32xi32, #tpu.memory_space<hbm>>
          %dma_start3A_293 = tpu.memref_squeeze %dma_start3A_292 : memref<1x4x32xi32, #tpu.memory_space<hbm>> -> memref<4x32xi32, #tpu.memory_space<hbm>>
          %dma_start3A_294 = arith.constant 0 : i32
          %dma_start3A_295 = arith.constant 0 : i32
          %dma_start3A_296 = tpu.memref_slice %arg7[%rem3A_242, %dma_start3A_294, %dma_start3A_295] : memref<3x4x32xi32, #tpu.memory_space<vmem>> -> memref<1x4x32xi32, #tpu.memory_space<vmem>>
          %dma_start3A_297 = tpu.memref_squeeze %dma_start3A_296 : memref<1x4x32xi32, #tpu.memory_space<vmem>> -> memref<4x32xi32, #tpu.memory_space<vmem>>
          %dma_start3A_298 = arith.constant 0 : i32
          %dma_start3A_299 = arith.constant 0 : i32
          %dma_start3A_300 = tpu.memref_slice %arg4[%add3A_249, %dma_start3A_298, %dma_start3A_299] : memref<800x4x32xi32, #tpu.memory_space<hbm>> -> memref<1x4x32xi32, #tpu.memory_space<hbm>>
          %dma_start3A_301 = tpu.memref_squeeze %dma_start3A_300 : memref<1x4x32xi32, #tpu.memory_space<hbm>> -> memref<4x32xi32, #tpu.memory_space<hbm>>
          tpu.enqueue_dma source(%dma_start3A_301 : memref<4x32xi32, #tpu.memory_space<hbm>>) target(%dma_start3A_297 : memref<4x32xi32, #tpu.memory_space<vmem>>) target_semaphore(%run_scoped3A_285 : memref<!tpu.dma_semaphore, #tpu.memory_space<semaphore_mem>>)
          %dma_wait3A_302 = arith.constant 0 : i32
          %dma_wait3A_303 = arith.constant 0 : i32
          %dma_wait3A_304 = tpu.memref_slice %arg7[%rem3A_242, %dma_wait3A_302, %dma_wait3A_303] : memref<3x4x32xi32, #tpu.memory_space<vmem>> -> memref<1x4x32xi32, #tpu.memory_space<vmem>>
          %dma_wait3A_305 = tpu.memref_squeeze %dma_wait3A_304 : memref<1x4x32xi32, #tpu.memory_space<vmem>> -> memref<4x32xi32, #tpu.memory_space<vmem>>
          %dma_wait3A_306 = arith.constant 0 : i32
          %dma_wait3A_307 = arith.constant 0 : i32
          %dma_wait3A_308 = tpu.memref_slice %arg4[%add3A_249, %dma_wait3A_306, %dma_wait3A_307] : memref<800x4x32xi32, #tpu.memory_space<hbm>> -> memref<1x4x32xi32, #tpu.memory_space<hbm>>
          %dma_wait3A_309 = tpu.memref_squeeze %dma_wait3A_308 : memref<1x4x32xi32, #tpu.memory_space<hbm>> -> memref<4x32xi32, #tpu.memory_space<hbm>>
          %dma_wait3A_310 = arith.constant 0 : i32
          %dma_wait3A_311 = arith.constant 0 : i32
          %dma_wait3A_312 = tpu.memref_slice %arg7[%rem3A_242, %dma_wait3A_310, %dma_wait3A_311] : memref<3x4x32xi32, #tpu.memory_space<vmem>> -> memref<1x4x32xi32, #tpu.memory_space<vmem>>
          %dma_wait3A_313 = tpu.memref_squeeze %dma_wait3A_312 : memref<1x4x32xi32, #tpu.memory_space<vmem>> -> memref<4x32xi32, #tpu.memory_space<vmem>>
          %dma_wait3A_314 = arith.constant 0 : i32
          %dma_wait3A_315 = arith.constant 0 : i32
          %dma_wait3A_316 = tpu.memref_slice %arg4[%add3A_249, %dma_wait3A_314, %dma_wait3A_315] : memref<800x4x32xi32, #tpu.memory_space<hbm>> -> memref<1x4x32xi32, #tpu.memory_space<hbm>>
          %dma_wait3A_317 = tpu.memref_squeeze %dma_wait3A_316 : memref<1x4x32xi32, #tpu.memory_space<hbm>> -> memref<4x32xi32, #tpu.memory_space<hbm>>
          tpu.wait_dma2 semaphore(%run_scoped3A_285 : memref<!tpu.dma_semaphore, #tpu.memory_space<semaphore_mem>>) src(%dma_wait3A_317 : memref<4x32xi32, #tpu.memory_space<hbm>>) dst(%dma_wait3A_313 : memref<4x32xi32, #tpu.memory_space<vmem>>)
          tpu.yield
        }) : () -> ()
        %dma_start3A_250 = arith.constant 0 : i32
        %dma_start3A_251 = arith.constant 0 : i32
        %dma_start3A_252 = arith.constant 0 : i32
        %dma_start3A_253 = tpu.memref_slice %arg8[%rem3A_242, %dma_start3A_251, %dma_start3A_252] : memref<3x32x1000xf32, #tpu.memory_space<vmem>> -> memref<1x32x1000xf32, #tpu.memory_space<vmem>>
        %dma_start3A_254 = tpu.memref_squeeze %dma_start3A_253 : memref<1x32x1000xf32, #tpu.memory_space<vmem>> -> memref<32x1000xf32, #tpu.memory_space<vmem>>
        %dma_start3A_255 = arith.constant 0 : i32
        %dma_start3A_256 = tpu.memref_slice %arg7[%rem3A_242, %dma_start3A_250, %dma_start3A_255] : memref<3x4x32xi32, #tpu.memory_space<vmem>> -> memref<1x1x32xi32, #tpu.memory_space<vmem>>
        %dma_start3A_257 = tpu.memref_squeeze %dma_start3A_256 : memref<1x1x32xi32, #tpu.memory_space<vmem>> -> memref<32xi32, #tpu.memory_space<vmem>>
        %dma_start3A_258 = arith.constant 0 : i32
        %dma_start3A_259 = arith.constant 0 : i32
        %dma_start3A_260 = tpu.memref_slice %arg2[%dma_start3A_258, %dma_start3A_259] : memref<1000x1000xf32, #tpu.memory_space<hbm>> -> memref<1000x1000xf32, #tpu.memory_space<hbm>>
        %dma_start3A_261 = tpu.memref_slice %arg12[%rem3A_242] : memref<3x!tpu.dma_semaphore, #tpu.memory_space<semaphore_mem>> -> memref<1x!tpu.dma_semaphore, #tpu.memory_space<semaphore_mem>>
        %dma_start3A_262 = tpu.memref_squeeze %dma_start3A_261 : memref<1x!tpu.dma_semaphore, #tpu.memory_space<semaphore_mem>> -> memref<!tpu.dma_semaphore, #tpu.memory_space<semaphore_mem>>
        tpu.enqueue_indirect_dma source(%dma_start3A_260 : memref<1000x1000xf32, #tpu.memory_space<hbm>>) target(%dma_start3A_254 : memref<32x1000xf32, #tpu.memory_space<vmem>>) offsets(%dma_start3A_257 : memref<32xi32, #tpu.memory_space<vmem>>) semaphore(%dma_start3A_262 : memref<!tpu.dma_semaphore, #tpu.memory_space<semaphore_mem>>)
        %dma_start3A_263 = arith.constant 1 : i32
        %dma_start3A_264 = arith.constant 0 : i32
        %dma_start3A_265 = tpu.memref_slice %arg9[%rem3A_242, %dma_start3A_264] : memref<3x32xf32, #tpu.memory_space<vmem>> -> memref<1x32xf32, #tpu.memory_space<vmem>>
        %dma_start3A_266 = tpu.memref_squeeze %dma_start3A_265 : memref<1x32xf32, #tpu.memory_space<vmem>> -> memref<32xf32, #tpu.memory_space<vmem>>
        %dma_start3A_267 = arith.constant 0 : i32
        %dma_start3A_268 = tpu.memref_slice %arg7[%rem3A_242, %dma_start3A_263, %dma_start3A_267] : memref<3x4x32xi32, #tpu.memory_space<vmem>> -> memref<1x1x32xi32, #tpu.memory_space<vmem>>
        %dma_start3A_269 = tpu.memref_squeeze %dma_start3A_268 : memref<1x1x32xi32, #tpu.memory_space<vmem>> -> memref<32xi32, #tpu.memory_space<vmem>>
        %dma_start3A_270 = arith.constant 0 : i32
        %dma_start3A_271 = tpu.memref_slice %arg3[%dma_start3A_270] : memref<1001008xf32, #tpu.memory_space<hbm>> -> memref<1001008xf32, #tpu.memory_space<hbm>>
        %dma_start3A_272 = tpu.memref_slice %arg14[%rem3A_242] : memref<3x!tpu.dma_semaphore, #tpu.memory_space<semaphore_mem>> -> memref<1x!tpu.dma_semaphore, #tpu.memory_space<semaphore_mem>>
        %dma_start3A_273 = tpu.memref_squeeze %dma_start3A_272 : memref<1x!tpu.dma_semaphore, #tpu.memory_space<semaphore_mem>> -> memref<!tpu.dma_semaphore, #tpu.memory_space<semaphore_mem>>
        tpu.enqueue_indirect_dma source(%dma_start3A_271 : memref<1001008xf32, #tpu.memory_space<hbm>>) target(%dma_start3A_266 : memref<32xf32, #tpu.memory_space<vmem>>) offsets(%dma_start3A_269 : memref<32xi32, #tpu.memory_space<vmem>>) semaphore(%dma_start3A_273 : memref<!tpu.dma_semaphore, #tpu.memory_space<semaphore_mem>>)
        %dma_start3A_274 = arith.constant 2 : i32
        %dma_start3A_275 = arith.constant 0 : i32
        %dma_start3A_276 = tpu.memref_slice %arg10[%rem3A_242, %dma_start3A_275] : memref<3x32xf32, #tpu.memory_space<vmem>> -> memref<1x32xf32, #tpu.memory_space<vmem>>
        %dma_start3A_277 = tpu.memref_squeeze %dma_start3A_276 : memref<1x32xf32, #tpu.memory_space<vmem>> -> memref<32xf32, #tpu.memory_space<vmem>>
        %dma_start3A_278 = arith.constant 0 : i32
        %dma_start3A_279 = tpu.memref_slice %arg7[%rem3A_242, %dma_start3A_274, %dma_start3A_278] : memref<3x4x32xi32, #tpu.memory_space<vmem>> -> memref<1x1x32xi32, #tpu.memory_space<vmem>>
        %dma_start3A_280 = tpu.memref_squeeze %dma_start3A_279 : memref<1x1x32xi32, #tpu.memory_space<vmem>> -> memref<32xi32, #tpu.memory_space<vmem>>
        %dma_start3A_281 = arith.constant 0 : i32
        %dma_start3A_282 = tpu.memref_slice %arg3[%dma_start3A_281] : memref<1001008xf32, #tpu.memory_space<hbm>> -> memref<1001008xf32, #tpu.memory_space<hbm>>
        %dma_start3A_283 = tpu.memref_slice %arg15[%rem3A_242] : memref<3x!tpu.dma_semaphore, #tpu.memory_space<semaphore_mem>> -> memref<1x!tpu.dma_semaphore, #tpu.memory_space<semaphore_mem>>
        %dma_start3A_284 = tpu.memref_squeeze %dma_start3A_283 : memref<1x!tpu.dma_semaphore, #tpu.memory_space<semaphore_mem>> -> memref<!tpu.dma_semaphore, #tpu.memory_space<semaphore_mem>>
        tpu.enqueue_indirect_dma source(%dma_start3A_282 : memref<1001008xf32, #tpu.memory_space<hbm>>) target(%dma_start3A_277 : memref<32xf32, #tpu.memory_space<vmem>>) offsets(%dma_start3A_280 : memref<32xi32, #tpu.memory_space<vmem>>) semaphore(%dma_start3A_284 : memref<!tpu.dma_semaphore, #tpu.memory_space<semaphore_mem>>)
      } else {
      }
      %dma_wait3A_159 = arith.constant 0 : i32
      %dma_wait3A_160 = arith.constant 0 : i32
      %dma_wait3A_161 = arith.constant 0 : i32
      %dma_wait3A_162 = tpu.memref_slice %arg8[%rem3A_154, %dma_wait3A_160, %dma_wait3A_161] : memref<3x32x1000xf32, #tpu.memory_space<vmem>> -> memref<1x32x1000xf32, #tpu.memory_space<vmem>>
      %dma_wait3A_163 = tpu.memref_squeeze %dma_wait3A_162 : memref<1x32x1000xf32, #tpu.memory_space<vmem>> -> memref<32x1000xf32, #tpu.memory_space<vmem>>
      %dma_wait3A_164 = arith.constant 0 : i32
      %dma_wait3A_165 = tpu.memref_slice %arg7[%rem3A_154, %dma_wait3A_159, %dma_wait3A_164] : memref<3x4x32xi32, #tpu.memory_space<vmem>> -> memref<1x1x32xi32, #tpu.memory_space<vmem>>
      %dma_wait3A_166 = tpu.memref_squeeze %dma_wait3A_165 : memref<1x1x32xi32, #tpu.memory_space<vmem>> -> memref<32xi32, #tpu.memory_space<vmem>>
      %dma_wait3A_167 = arith.constant 0 : i32
      %dma_wait3A_168 = arith.constant 0 : i32
      %dma_wait3A_169 = tpu.memref_slice %arg2[%dma_wait3A_167, %dma_wait3A_168] : memref<1000x1000xf32, #tpu.memory_space<hbm>> -> memref<1000x1000xf32, #tpu.memory_space<hbm>>
      %dma_wait3A_170 = tpu.memref_slice %arg12[%rem3A_154] : memref<3x!tpu.dma_semaphore, #tpu.memory_space<semaphore_mem>> -> memref<1x!tpu.dma_semaphore, #tpu.memory_space<semaphore_mem>>
      %dma_wait3A_171 = tpu.memref_squeeze %dma_wait3A_170 : memref<1x!tpu.dma_semaphore, #tpu.memory_space<semaphore_mem>> -> memref<!tpu.dma_semaphore, #tpu.memory_space<semaphore_mem>>
      tpu.wait_indirect_dma semaphore(%dma_wait3A_171 : memref<!tpu.dma_semaphore, #tpu.memory_space<semaphore_mem>>) src(%dma_wait3A_169 : memref<1000x1000xf32, #tpu.memory_space<hbm>>) dst(%dma_wait3A_163 : memref<32x1000xf32, #tpu.memory_space<vmem>>)
      %dma_start3A_172 = arith.constant 3 : i32
      %dma_start3A_173 = arith.constant 0 : i32
      %dma_start3A_174 = arith.constant 0 : i32
      %dma_start3A_175 = tpu.memref_slice %arg8[%rem3A_154, %dma_start3A_173, %dma_start3A_174] : memref<3x32x1000xf32, #tpu.memory_space<vmem>> -> memref<1x32x1000xf32, #tpu.memory_space<vmem>>
      %dma_start3A_176 = tpu.memref_squeeze %dma_start3A_175 : memref<1x32x1000xf32, #tpu.memory_space<vmem>> -> memref<32x1000xf32, #tpu.memory_space<vmem>>
      %dma_start3A_177 = arith.constant 0 : i32
      %dma_start3A_178 = tpu.memref_slice %arg7[%rem3A_154, %dma_start3A_172, %dma_start3A_177] : memref<3x4x32xi32, #tpu.memory_space<vmem>> -> memref<1x1x32xi32, #tpu.memory_space<vmem>>
      %dma_start3A_179 = tpu.memref_squeeze %dma_start3A_178 : memref<1x1x32xi32, #tpu.memory_space<vmem>> -> memref<32xi32, #tpu.memory_space<vmem>>
      %dma_start3A_180 = arith.constant 0 : i32
      %dma_start3A_181 = arith.constant 0 : i32
      %dma_start3A_182 = tpu.memref_slice %arg5[%dma_start3A_180, %dma_start3A_181] : memref<25600x1000xf32, #tpu.memory_space<hbm>> -> memref<25600x1000xf32, #tpu.memory_space<hbm>>
      %dma_start3A_183 = tpu.memref_slice %arg13[%rem3A_154] : memref<3x!tpu.dma_semaphore, #tpu.memory_space<semaphore_mem>> -> memref<1x!tpu.dma_semaphore, #tpu.memory_space<semaphore_mem>>
      %dma_start3A_184 = tpu.memref_squeeze %dma_start3A_183 : memref<1x!tpu.dma_semaphore, #tpu.memory_space<semaphore_mem>> -> memref<!tpu.dma_semaphore, #tpu.memory_space<semaphore_mem>>
      tpu.enqueue_indirect_dma source(%dma_start3A_176 : memref<32x1000xf32, #tpu.memory_space<vmem>>) target(%dma_start3A_182 : memref<25600x1000xf32, #tpu.memory_space<hbm>>) offsets(%dma_start3A_179 : memref<32xi32, #tpu.memory_space<vmem>>) semaphore(%dma_start3A_184 : memref<!tpu.dma_semaphore, #tpu.memory_space<semaphore_mem>>)
      %dma_wait3A_185 = arith.constant 1 : i32
      %dma_wait3A_186 = arith.constant 0 : i32
      %dma_wait3A_187 = tpu.memref_slice %arg9[%rem3A_154, %dma_wait3A_186] : memref<3x32xf32, #tpu.memory_space<vmem>> -> memref<1x32xf32, #tpu.memory_space<vmem>>
      %dma_wait3A_188 = tpu.memref_squeeze %dma_wait3A_187 : memref<1x32xf32, #tpu.memory_space<vmem>> -> memref<32xf32, #tpu.memory_space<vmem>>
      %dma_wait3A_189 = arith.constant 0 : i32
      %dma_wait3A_190 = tpu.memref_slice %arg7[%rem3A_154, %dma_wait3A_185, %dma_wait3A_189] : memref<3x4x32xi32, #tpu.memory_space<vmem>> -> memref<1x1x32xi32, #tpu.memory_space<vmem>>
      %dma_wait3A_191 = tpu.memref_squeeze %dma_wait3A_190 : memref<1x1x32xi32, #tpu.memory_space<vmem>> -> memref<32xi32, #tpu.memory_space<vmem>>
      %dma_wait3A_192 = arith.constant 0 : i32
      %dma_wait3A_193 = tpu.memref_slice %arg3[%dma_wait3A_192] : memref<1001008xf32, #tpu.memory_space<hbm>> -> memref<1001008xf32, #tpu.memory_space<hbm>>
      %dma_wait3A_194 = tpu.memref_slice %arg14[%rem3A_154] : memref<3x!tpu.dma_semaphore, #tpu.memory_space<semaphore_mem>> -> memref<1x!tpu.dma_semaphore, #tpu.memory_space<semaphore_mem>>
      %dma_wait3A_195 = tpu.memref_squeeze %dma_wait3A_194 : memref<1x!tpu.dma_semaphore, #tpu.memory_space<semaphore_mem>> -> memref<!tpu.dma_semaphore, #tpu.memory_space<semaphore_mem>>
      tpu.wait_indirect_dma semaphore(%dma_wait3A_195 : memref<!tpu.dma_semaphore, #tpu.memory_space<semaphore_mem>>) src(%dma_wait3A_193 : memref<1001008xf32, #tpu.memory_space<hbm>>) dst(%dma_wait3A_188 : memref<32xf32, #tpu.memory_space<vmem>>)
      %dma_wait3A_196 = arith.constant 2 : i32
      %dma_wait3A_197 = arith.constant 0 : i32
      %dma_wait3A_198 = tpu.memref_slice %arg10[%rem3A_154, %dma_wait3A_197] : memref<3x32xf32, #tpu.memory_space<vmem>> -> memref<1x32xf32, #tpu.memory_space<vmem>>
      %dma_wait3A_199 = tpu.memref_squeeze %dma_wait3A_198 : memref<1x32xf32, #tpu.memory_space<vmem>> -> memref<32xf32, #tpu.memory_space<vmem>>
      %dma_wait3A_200 = arith.constant 0 : i32
      %dma_wait3A_201 = tpu.memref_slice %arg7[%rem3A_154, %dma_wait3A_196, %dma_wait3A_200] : memref<3x4x32xi32, #tpu.memory_space<vmem>> -> memref<1x1x32xi32, #tpu.memory_space<vmem>>
      %dma_wait3A_202 = tpu.memref_squeeze %dma_wait3A_201 : memref<1x1x32xi32, #tpu.memory_space<vmem>> -> memref<32xi32, #tpu.memory_space<vmem>>
      %dma_wait3A_203 = arith.constant 0 : i32
      %dma_wait3A_204 = tpu.memref_slice %arg3[%dma_wait3A_203] : memref<1001008xf32, #tpu.memory_space<hbm>> -> memref<1001008xf32, #tpu.memory_space<hbm>>
      %dma_wait3A_205 = tpu.memref_slice %arg15[%rem3A_154] : memref<3x!tpu.dma_semaphore, #tpu.memory_space<semaphore_mem>> -> memref<1x!tpu.dma_semaphore, #tpu.memory_space<semaphore_mem>>
      %dma_wait3A_206 = tpu.memref_squeeze %dma_wait3A_205 : memref<1x!tpu.dma_semaphore, #tpu.memory_space<semaphore_mem>> -> memref<!tpu.dma_semaphore, #tpu.memory_space<semaphore_mem>>
      tpu.wait_indirect_dma semaphore(%dma_wait3A_206 : memref<!tpu.dma_semaphore, #tpu.memory_space<semaphore_mem>>) src(%dma_wait3A_204 : memref<1001008xf32, #tpu.memory_space<hbm>>) dst(%dma_wait3A_199 : memref<32xf32, #tpu.memory_space<vmem>>)
      %get3A = arith.constant 0 : index
      %get3A_207 = tpu.vector_load %arg11[%get3A] {strides = array<i32>} : memref<16xf32, #tpu.memory_space<vmem>>, vector<16xf32>,
      %get3A_208 = vector.shape_cast %get3A_207 : vector<16xf32> to vector<16xf32>
      %get3A_209 = arith.index_cast %rem3A_154 : i32 to index
      %get3A_210 = arith.constant 0 : index
      %get3A_211 = tpu.vector_load %arg10[%get3A_209, %get3A_210] {strides = array<i32>} : memref<3x32xf32, #tpu.memory_space<vmem>>, vector<1x16xf32>,
      %get3A_212 = vector.shape_cast %get3A_211 : vector<1x16xf32> to vector<16xf32>
      %get3A_213 = arith.index_cast %rem3A_154 : i32 to index
      %get3A_214 = arith.constant 0 : index
      %get3A_215 = tpu.vector_load %arg9[%get3A_213, %get3A_214] {strides = array<i32>} : memref<3x32xf32, #tpu.memory_space<vmem>>, vector<1x16xf32>,
      %get3A_216 = vector.shape_cast %get3A_215 : vector<1x16xf32> to vector<16xf32>
      %sub3A = arith.subf %get3A_212, %get3A_216 : vector<16xf32>
      %add3A_217 = arith.addf %get3A_208, %sub3A : vector<16xf32>
      %swap3A_218 = arith.constant 0 : index
      %swap3A_219 = tpu.vector_load %arg11[%swap3A_218] {strides = array<i32>} : memref<16xf32, #tpu.memory_space<vmem>>, vector<16xf32>,
      %swap3A_220 = vector.shape_cast %swap3A_219 : vector<16xf32> to vector<16xf32>
      %swap3A_221 = vector.shape_cast %add3A_217 : vector<16xf32> to vector<16xf32>
      tpu.vector_store %arg11[%swap3A_218], %swap3A_221 {strides = array<i32>} : memref<16xf32, #tpu.memory_space<vmem>>, vector<16xf32>,
      %get3A_222 = arith.constant 0 : index
      %get3A_223 = tpu.vector_load %arg11[%get3A_222] {strides = array<i32>} : memref<16xf32, #tpu.memory_space<vmem>>, vector<16xf32>,
      %get3A_224 = vector.shape_cast %get3A_223 : vector<16xf32> to vector<16xf32>
      %get3A_225 = arith.index_cast %rem3A_154 : i32 to index
      %get3A_226 = arith.constant 16 : index
      %get3A_227 = tpu.vector_load %arg10[%get3A_225, %get3A_226] {strides = array<i32>} : memref<3x32xf32, #tpu.memory_space<vmem>>, vector<1x16xf32>,
      %get3A_228 = vector.shape_cast %get3A_227 : vector<1x16xf32> to vector<16xf32>
      %get3A_229 = arith.index_cast %rem3A_154 : i32 to index
      %get3A_230 = arith.constant 16 : index
      %get3A_231 = tpu.vector_load %arg9[%get3A_229, %get3A_230] {strides = array<i32>} : memref<3x32xf32, #tpu.memory_space<vmem>>, vector<1x16xf32>,
      %get3A_232 = vector.shape_cast %get3A_231 : vector<1x16xf32> to vector<16xf32>
      %sub3A_233 = arith.subf %get3A_228, %get3A_232 : vector<16xf32>
      %add3A_234 = arith.addf %get3A_224, %sub3A_233 : vector<16xf32>
      %swap3A_235 = arith.constant 0 : index
      %swap3A_236 = tpu.vector_load %arg11[%swap3A_235] {strides = array<i32>} : memref<16xf32, #tpu.memory_space<vmem>>, vector<16xf32>,
      %swap3A_237 = vector.shape_cast %swap3A_236 : vector<16xf32> to vector<16xf32>
      %swap3A_238 = vector.shape_cast %add3A_234 : vector<16xf32> to vector<16xf32>
      tpu.vector_store %arg11[%swap3A_235], %swap3A_238 {strides = array<i32>} : memref<16xf32, #tpu.memory_space<vmem>>, vector<16xf32>,
    }
    %scan3A_105 = arith.constant 25 : i32
    %dma_wait3A = arith.constant 0 : i32
    %dma_wait3A_106 = arith.constant 0 : i32
    %dma_wait3A_107 = arith.constant 3 : i32
    %dma_wait3A_108 = arith.constant 0 : i32
    %dma_wait3A_109 = arith.constant 0 : i32
    %dma_wait3A_110 = arith.constant 0 : i32
    %dma_wait3A_111 = tpu.memref_slice %arg8[%dma_wait3A, %dma_wait3A_109, %dma_wait3A_110] : memref<3x32x1000xf32, #tpu.memory_space<vmem>> -> memref<1x32x1000xf32, #tpu.memory_space<vmem>>
    %dma_wait3A_112 = tpu.memref_squeeze %dma_wait3A_111 : memref<1x32x1000xf32, #tpu.memory_space<vmem>> -> memref<32x1000xf32, #tpu.memory_space<vmem>>
    %dma_wait3A_113 = arith.constant 0 : i32
    %dma_wait3A_114 = tpu.memref_slice %arg7[%dma_wait3A_106, %dma_wait3A_107, %dma_wait3A_113] : memref<3x4x32xi32, #tpu.memory_space<vmem>> -> memref<1x1x32xi32, #tpu.memory_space<vmem>>
    %dma_wait3A_115 = tpu.memref_squeeze %dma_wait3A_114 : memref<1x1x32xi32, #tpu.memory_space<vmem>> -> memref<32xi32, #tpu.memory_space<vmem>>
    %dma_wait3A_116 = arith.constant 0 : i32
    %dma_wait3A_117 = arith.constant 0 : i32
    %dma_wait3A_118 = tpu.memref_slice %arg5[%dma_wait3A_116, %dma_wait3A_117] : memref<25600x1000xf32, #tpu.memory_space<hbm>> -> memref<25600x1000xf32, #tpu.memory_space<hbm>>
    %dma_wait3A_119 = tpu.memref_slice %arg13[%dma_wait3A_108] : memref<3x!tpu.dma_semaphore, #tpu.memory_space<semaphore_mem>> -> memref<1x!tpu.dma_semaphore, #tpu.memory_space<semaphore_mem>>
    %dma_wait3A_120 = tpu.memref_squeeze %dma_wait3A_119 : memref<1x!tpu.dma_semaphore, #tpu.memory_space<semaphore_mem>> -> memref<!tpu.dma_semaphore, #tpu.memory_space<semaphore_mem>>
    tpu.wait_indirect_dma semaphore(%dma_wait3A_120 : memref<!tpu.dma_semaphore, #tpu.memory_space<semaphore_mem>>) src(%dma_wait3A_112 : memref<32x1000xf32, #tpu.memory_space<vmem>>) dst(%dma_wait3A_118 : memref<25600x1000xf32, #tpu.memory_space<hbm>>)
    %dma_wait3A_121 = arith.constant 1 : i32
    %dma_wait3A_122 = arith.constant 1 : i32
    %dma_wait3A_123 = arith.constant 3 : i32
    %dma_wait3A_124 = arith.constant 1 : i32
    %dma_wait3A_125 = arith.constant 0 : i32
    %dma_wait3A_126 = arith.constant 0 : i32
    %dma_wait3A_127 = tpu.memref_slice %arg8[%dma_wait3A_121, %dma_wait3A_125, %dma_wait3A_126] : memref<3x32x1000xf32, #tpu.memory_space<vmem>> -> memref<1x32x1000xf32, #tpu.memory_space<vmem>>
    %dma_wait3A_128 = tpu.memref_squeeze %dma_wait3A_127 : memref<1x32x1000xf32, #tpu.memory_space<vmem>> -> memref<32x1000xf32, #tpu.memory_space<vmem>>
    %dma_wait3A_129 = arith.constant 0 : i32
    %dma_wait3A_130 = tpu.memref_slice %arg7[%dma_wait3A_122, %dma_wait3A_123, %dma_wait3A_129] : memref<3x4x32xi32, #tpu.memory_space<vmem>> -> memref<1x1x32xi32, #tpu.memory_space<vmem>>
    %dma_wait3A_131 = tpu.memref_squeeze %dma_wait3A_130 : memref<1x1x32xi32, #tpu.memory_space<vmem>> -> memref<32xi32, #tpu.memory_space<vmem>>
    %dma_wait3A_132 = arith.constant 0 : i32
    %dma_wait3A_133 = arith.constant 0 : i32
    %dma_wait3A_134 = tpu.memref_slice %arg5[%dma_wait3A_132, %dma_wait3A_133] : memref<25600x1000xf32, #tpu.memory_space<hbm>> -> memref<25600x1000xf32, #tpu.memory_space<hbm>>
    %dma_wait3A_135 = tpu.memref_slice %arg13[%dma_wait3A_124] : memref<3x!tpu.dma_semaphore, #tpu.memory_space<semaphore_mem>> -> memref<1x!tpu.dma_semaphore, #tpu.memory_space<semaphore_mem>>
    %dma_wait3A_136 = tpu.memref_squeeze %dma_wait3A_135 : memref<1x!tpu.dma_semaphore, #tpu.memory_space<semaphore_mem>> -> memref<!tpu.dma_semaphore, #tpu.memory_space<semaphore_mem>>
    tpu.wait_indirect_dma semaphore(%dma_wait3A_136 : memref<!tpu.dma_semaphore, #tpu.memory_space<semaphore_mem>>) src(%dma_wait3A_128 : memref<32x1000xf32, #tpu.memory_space<vmem>>) dst(%dma_wait3A_134 : memref<25600x1000xf32, #tpu.memory_space<hbm>>)
    %dma_wait3A_137 = arith.constant 2 : i32
    %dma_wait3A_138 = arith.constant 2 : i32
    %dma_wait3A_139 = arith.constant 3 : i32
    %dma_wait3A_140 = arith.constant 2 : i32
    %dma_wait3A_141 = arith.constant 0 : i32
    %dma_wait3A_142 = arith.constant 0 : i32
    %dma_wait3A_143 = tpu.memref_slice %arg8[%dma_wait3A_137, %dma_wait3A_141, %dma_wait3A_142] : memref<3x32x1000xf32, #tpu.memory_space<vmem>> -> memref<1x32x1000xf32, #tpu.memory_space<vmem>>
    %dma_wait3A_144 = tpu.memref_squeeze %dma_wait3A_143 : memref<1x32x1000xf32, #tpu.memory_space<vmem>> -> memref<32x1000xf32, #tpu.memory_space<vmem>>
    %dma_wait3A_145 = arith.constant 0 : i32
    %dma_wait3A_146 = tpu.memref_slice %arg7[%dma_wait3A_138, %dma_wait3A_139, %dma_wait3A_145] : memref<3x4x32xi32, #tpu.memory_space<vmem>> -> memref<1x1x32xi32, #tpu.memory_space<vmem>>
    %dma_wait3A_147 = tpu.memref_squeeze %dma_wait3A_146 : memref<1x1x32xi32, #tpu.memory_space<vmem>> -> memref<32xi32, #tpu.memory_space<vmem>>
    %dma_wait3A_148 = arith.constant 0 : i32
    %dma_wait3A_149 = arith.constant 0 : i32
    %dma_wait3A_150 = tpu.memref_slice %arg5[%dma_wait3A_148, %dma_wait3A_149] : memref<25600x1000xf32, #tpu.memory_space<hbm>> -> memref<25600x1000xf32, #tpu.memory_space<hbm>>
    %dma_wait3A_151 = tpu.memref_slice %arg13[%dma_wait3A_140] : memref<3x!tpu.dma_semaphore, #tpu.memory_space<semaphore_mem>> -> memref<1x!tpu.dma_semaphore, #tpu.memory_space<semaphore_mem>>
    %dma_wait3A_152 = tpu.memref_squeeze %dma_wait3A_151 : memref<1x!tpu.dma_semaphore, #tpu.memory_space<semaphore_mem>> -> memref<!tpu.dma_semaphore, #tpu.memory_space<semaphore_mem>>
    tpu.wait_indirect_dma semaphore(%dma_wait3A_152 : memref<!tpu.dma_semaphore, #tpu.memory_space<semaphore_mem>>) src(%dma_wait3A_144 : memref<32x1000xf32, #tpu.memory_space<vmem>>) dst(%dma_wait3A_150 : memref<25600x1000xf32, #tpu.memory_space<hbm>>)
    "tpu.region"() ({
      %run_scoped3A_153 = tpu.sem_alloc : memref<!tpu.dma_semaphore, #tpu.memory_space<semaphore_mem>>
      %dma_start3A_154 = arith.constant 0 : i32
      %dma_start3A_155 = tpu.memref_slice %arg6[%add3A, %dma_start3A_154] : memref<32x16xf32, #tpu.memory_space<hbm>> -> memref<1x16xf32, #tpu.memory_space<hbm>>
      %dma_start3A_156 = tpu.memref_squeeze %dma_start3A_155 : memref<1x16xf32, #tpu.memory_space<hbm>> -> memref<16xf32, #tpu.memory_space<hbm>>
      %dma_start3A_157 = arith.constant 0 : i32
      %dma_start3A_158 = tpu.memref_slice %arg6[%add3A, %dma_start3A_157] : memref<32x16xf32, #tpu.memory_space<hbm>> -> memref<1x16xf32, #tpu.memory_space<hbm>>
      %dma_start3A_159 = tpu.memref_squeeze %dma_start3A_158 : memref<1x16xf32, #tpu.memory_space<hbm>> -> memref<16xf32, #tpu.memory_space<hbm>>
      tpu.enqueue_dma source(%arg11 : memref<16xf32, #tpu.memory_space<vmem>>) target(%dma_start3A_159 : memref<16xf32, #tpu.memory_space<hbm>>) target_semaphore(%run_scoped3A_153 : memref<!tpu.dma_semaphore, #tpu.memory_space<semaphore_mem>>)
      %dma_wait3A_160 = arith.constant 0 : i32
      %dma_wait3A_161 = tpu.memref_slice %arg6[%add3A, %dma_wait3A_160] : memref<32x16xf32, #tpu.memory_space<hbm>> -> memref<1x16xf32, #tpu.memory_space<hbm>>
      %dma_wait3A_162 = tpu.memref_squeeze %dma_wait3A_161 : memref<1x16xf32, #tpu.memory_space<hbm>> -> memref<16xf32, #tpu.memory_space<hbm>>
      %dma_wait3A_163 = arith.constant 0 : i32
      %dma_wait3A_164 = tpu.memref_slice %arg6[%add3A, %dma_wait3A_163] : memref<32x16xf32, #tpu.memory_space<hbm>> -> memref<1x16xf32, #tpu.memory_space<hbm>>
      %dma_wait3A_165 = tpu.memref_squeeze %dma_wait3A_164 : memref<1x16xf32, #tpu.memory_space<hbm>> -> memref<16xf32, #tpu.memory_space<hbm>>
      tpu.wait_dma2 semaphore(%run_scoped3A_153 : memref<!tpu.dma_semaphore, #tpu.memory_space<semaphore_mem>>) src(%arg11 : memref<16xf32, #tpu.memory_space<vmem>>) dst(%dma_wait3A_165 : memref<16xf32, #tpu.memory_space<hbm>>)
      tpu.yield
    }) : () -> ()
    return
  }
}

module attributes {stable_mosaic.version = 14 : i64} {
  func.func @_lse_body(%arg0: memref<1000x1000xf32, #tpu.memory_space<vmem>>, %arg1: memref<1000x1xf32, #tpu.memory_space<vmem>>) attributes {dimension_semantics = [], scalar_prefetch = 0 : i64, scratch_operands = 0 : i64, tpu.core_type = #tpu.core_type<tc>} {
    %get3A = arith.constant 0 : index
    %get3A_0 = arith.constant 0 : index
    %get3A_1 = vector.load %arg0[%get3A, %get3A_0] : memref<1000x1000xf32, #tpu.memory_space<vmem>>, vector<1000x1000xf32>
    %reduce_max3A = arith.constant dense<0xFF800000> : vector<1000xf32>
    %reduce_max3A_2 = vector.multi_reduction <maximumf>, %get3A_1, %reduce_max3A [1] : vector<1000x1000xf32> to vector<1000xf32>
    %broadcast_in_dim3A = vector.shape_cast %reduce_max3A_2 : vector<1000xf32> to vector<1000x1xf32>
    %sub3A = vector.broadcast %broadcast_in_dim3A : vector<1000x1xf32> to vector<1000x1000xf32>
    %sub3A_3 = arith.subf %get3A_1, %sub3A : vector<1000x1000xf32>
    %exp3A = math.exp %sub3A_3 : vector<1000x1000xf32>
    %reduce_sum3A = arith.constant dense<0.000000e+00> : vector<1000xf32>
    %reduce_sum3A_4 = vector.multi_reduction <add>, %exp3A, %reduce_sum3A [1] : vector<1000x1000xf32> to vector<1000xf32>
    %broadcast_in_dim3A_5 = vector.shape_cast %reduce_sum3A_4 : vector<1000xf32> to vector<1000x1xf32>
    %log3A = math.log %broadcast_in_dim3A_5 : vector<1000x1xf32>
    %add3A = arith.addf %log3A, %broadcast_in_dim3A : vector<1000x1xf32>
    %swap3A = arith.constant 0 : index
    %swap3A_6 = arith.constant 0 : index
    %swap3A_7 = vector.load %arg1[%swap3A, %swap3A_6] : memref<1000x1xf32, #tpu.memory_space<vmem>>, vector<1000x1xf32>
    tpu.vector_store %arg1[%swap3A, %swap3A_6], %add3A {strides = array<i32>} : memref<1000x1xf32, #tpu.memory_space<vmem>>, vector<1000x1xf32>,
    return
  }
}

module attributes {stable_mosaic.version = 14 : i64} {
  func.func @_tr_body(%arg0: memref<25600x1000xf32, #tpu.memory_space<hbm>>, %arg1: memref<50x1000x1024xf32, #tpu.memory_space<hbm>>, %arg2: memref<2x512x1000xf32, #tpu.memory_space<vmem>>, %arg3: memref<2x1x1000x512xf32, #tpu.memory_space<vmem>>, %arg4: memref<2x!tpu.dma_semaphore, #tpu.memory_space<semaphore_mem>>, %arg5: memref<2x!tpu.dma_semaphore, #tpu.memory_space<semaphore_mem>>) attributes {dimension_semantics = [], scalar_prefetch = 0 : i64, scratch_operands = 4 : i64, tpu.core_type = #tpu.core_type<tc>} {
    %dma_start3A = arith.constant 0 : i32
    %dma_start3A_0 = arith.constant 0 : i32
    %dma_start3A_1 = tpu.memref_slice %arg4[%dma_start3A_0] : memref<2x!tpu.dma_semaphore, #tpu.memory_space<semaphore_mem>> -> memref<1x!tpu.dma_semaphore, #tpu.memory_space<semaphore_mem>>
    %dma_start3A_2 = tpu.memref_squeeze %dma_start3A_1 : memref<1x!tpu.dma_semaphore, #tpu.memory_space<semaphore_mem>> -> memref<!tpu.dma_semaphore, #tpu.memory_space<semaphore_mem>>
    %dma_start3A_3 = arith.constant 0 : i32
    %dma_start3A_4 = arith.constant 0 : i32
    %dma_start3A_5 = tpu.memref_slice %arg2[%dma_start3A, %dma_start3A_3, %dma_start3A_4] : memref<2x512x1000xf32, #tpu.memory_space<vmem>> -> memref<1x512x1000xf32, #tpu.memory_space<vmem>>
    %dma_start3A_6 = tpu.memref_squeeze %dma_start3A_5 : memref<1x512x1000xf32, #tpu.memory_space<vmem>> -> memref<512x1000xf32, #tpu.memory_space<vmem>>
    %dma_start3A_7 = arith.constant 0 : i32
    %dma_start3A_8 = arith.constant 0 : i32
    %dma_start3A_9 = tpu.memref_slice %arg0[%dma_start3A_7, %dma_start3A_8] : memref<25600x1000xf32, #tpu.memory_space<hbm>> -> memref<512x1000xf32, #tpu.memory_space<hbm>>
    tpu.enqueue_dma source(%dma_start3A_9 : memref<512x1000xf32, #tpu.memory_space<hbm>>) target(%dma_start3A_6 : memref<512x1000xf32, #tpu.memory_space<vmem>>) target_semaphore(%dma_start3A_2 : memref<!tpu.dma_semaphore, #tpu.memory_space<semaphore_mem>>)
    %scan3A = arith.constant 0 : i32
    %scan3A_10 = arith.constant 50 : i32
    %scan3A_11 = arith.addi %scan3A, %scan3A_10 : i32
    %scan3A_12 = arith.constant 1 : i32
    scf.for %scan3A_39 = %scan3A to %scan3A_11 step %scan3A_12  : i32 {
      %rem3A = arith.constant 2 : i32
      %rem3A_40 = arith.remsi %scan3A_39, %rem3A : i32
      %add3A = arith.constant 1 : i32
      %add3A_41 = arith.addi %scan3A_39, %add3A : i32
      %lt3A = arith.constant 50 : i32
      %lt3A_42 = arith.cmpi slt, %add3A_41, %lt3A : i32
      %convert_element_type3A = arith.extui %lt3A_42 : i1 to i32
      %cond3A = arith.constant 0 : i32
      %cond3A_43 = arith.cmpi ne, %convert_element_type3A, %cond3A : i32
      scf.if %cond3A_43 {
        %add3A_77 = arith.constant 1 : i32
        %add3A_78 = arith.addi %scan3A_39, %add3A_77 : i32
        %add3A_79 = arith.constant 1 : i32
        %add3A_80 = arith.addi %scan3A_39, %add3A_79 : i32
        %rem3A_81 = arith.constant 2 : i32
        %rem3A_82 = arith.remsi %add3A_80, %rem3A_81 : i32
        %mul3A_83 = arith.constant 512 : i32
        %mul3A_84 = arith.muli %add3A_78, %mul3A_83 : i32
        %dma_start3A_85 = tpu.memref_slice %arg4[%rem3A_82] : memref<2x!tpu.dma_semaphore, #tpu.memory_space<semaphore_mem>> -> memref<1x!tpu.dma_semaphore, #tpu.memory_space<semaphore_mem>>
        %dma_start3A_86 = tpu.memref_squeeze %dma_start3A_85 : memref<1x!tpu.dma_semaphore, #tpu.memory_space<semaphore_mem>> -> memref<!tpu.dma_semaphore, #tpu.memory_space<semaphore_mem>>
        %dma_start3A_87 = arith.constant 0 : i32
        %dma_start3A_88 = arith.constant 0 : i32
        %dma_start3A_89 = tpu.memref_slice %arg2[%rem3A_82, %dma_start3A_87, %dma_start3A_88] : memref<2x512x1000xf32, #tpu.memory_space<vmem>> -> memref<1x512x1000xf32, #tpu.memory_space<vmem>>
        %dma_start3A_90 = tpu.memref_squeeze %dma_start3A_89 : memref<1x512x1000xf32, #tpu.memory_space<vmem>> -> memref<512x1000xf32, #tpu.memory_space<vmem>>
        %dma_start3A_91 = arith.constant 0 : i32
        %dma_start3A_92 = tpu.memref_slice %arg0[%mul3A_84, %dma_start3A_91] : memref<25600x1000xf32, #tpu.memory_space<hbm>> -> memref<512x1000xf32, #tpu.memory_space<hbm>>
        tpu.enqueue_dma source(%dma_start3A_92 : memref<512x1000xf32, #tpu.memory_space<hbm>>) target(%dma_start3A_90 : memref<512x1000xf32, #tpu.memory_space<vmem>>) target_semaphore(%dma_start3A_86 : memref<!tpu.dma_semaphore, #tpu.memory_space<semaphore_mem>>)
      } else {
      }
      %mul3A = arith.constant 512 : i32
      %mul3A_44 = arith.muli %scan3A_39, %mul3A : i32
      %dma_wait3A_45 = tpu.memref_slice %arg4[%rem3A_40] : memref<2x!tpu.dma_semaphore, #tpu.memory_space<semaphore_mem>> -> memref<1x!tpu.dma_semaphore, #tpu.memory_space<semaphore_mem>>
      %dma_wait3A_46 = tpu.memref_squeeze %dma_wait3A_45 : memref<1x!tpu.dma_semaphore, #tpu.memory_space<semaphore_mem>> -> memref<!tpu.dma_semaphore, #tpu.memory_space<semaphore_mem>>
      %dma_wait3A_47 = arith.constant 0 : i32
      %dma_wait3A_48 = arith.constant 0 : i32
      %dma_wait3A_49 = tpu.memref_slice %arg2[%rem3A_40, %dma_wait3A_47, %dma_wait3A_48] : memref<2x512x1000xf32, #tpu.memory_space<vmem>> -> memref<1x512x1000xf32, #tpu.memory_space<vmem>>
      %dma_wait3A_50 = tpu.memref_squeeze %dma_wait3A_49 : memref<1x512x1000xf32, #tpu.memory_space<vmem>> -> memref<512x1000xf32, #tpu.memory_space<vmem>>
      %dma_wait3A_51 = arith.constant 0 : i32
      %dma_wait3A_52 = tpu.memref_slice %arg0[%mul3A_44, %dma_wait3A_51] : memref<25600x1000xf32, #tpu.memory_space<hbm>> -> memref<512x1000xf32, #tpu.memory_space<hbm>>
      tpu.wait_dma2 semaphore(%dma_wait3A_46 : memref<!tpu.dma_semaphore, #tpu.memory_space<semaphore_mem>>) src(%dma_wait3A_52 : memref<512x1000xf32, #tpu.memory_space<hbm>>) dst(%dma_wait3A_50 : memref<512x1000xf32, #tpu.memory_space<vmem>>)
      %ge3A = arith.constant 2 : i32
      %ge3A_53 = arith.cmpi sge, %scan3A_39, %ge3A : i32
      %convert_element_type3A_54 = arith.extui %ge3A_53 : i1 to i32
      %cond3A_55 = arith.constant 0 : i32
      %cond3A_56 = arith.cmpi ne, %convert_element_type3A_54, %cond3A_55 : i32
      scf.if %cond3A_56 {
        %dma_wait3A_77 = tpu.memref_slice %arg5[%rem3A_40] : memref<2x!tpu.dma_semaphore, #tpu.memory_space<semaphore_mem>> -> memref<1x!tpu.dma_semaphore, #tpu.memory_space<semaphore_mem>>
        %dma_wait3A_78 = tpu.memref_squeeze %dma_wait3A_77 : memref<1x!tpu.dma_semaphore, #tpu.memory_space<semaphore_mem>> -> memref<!tpu.dma_semaphore, #tpu.memory_space<semaphore_mem>>
        %dma_wait3A_79 = arith.constant 0 : i32
        %dma_wait3A_80 = arith.constant 0 : i32
        %dma_wait3A_81 = tpu.memref_slice %arg1[%scan3A_39, %dma_wait3A_79, %dma_wait3A_80] : memref<50x1000x1024xf32, #tpu.memory_space<hbm>> -> memref<1x1000x512xf32, #tpu.memory_space<hbm>>
        %dma_wait3A_82 = arith.constant 0 : i32
        %dma_wait3A_83 = arith.constant 0 : i32
        %dma_wait3A_84 = arith.constant 0 : i32
        %dma_wait3A_85 = tpu.memref_slice %arg3[%rem3A_40, %dma_wait3A_82, %dma_wait3A_83, %dma_wait3A_84] : memref<2x1x1000x512xf32, #tpu.memory_space<vmem>> -> memref<1x1x1000x512xf32, #tpu.memory_space<vmem>>
        %dma_wait3A_86 = tpu.memref_squeeze %dma_wait3A_85 : memref<1x1x1000x512xf32, #tpu.memory_space<vmem>> -> memref<1x1000x512xf32, #tpu.memory_space<vmem>>
        tpu.wait_dma2 semaphore(%dma_wait3A_78 : memref<!tpu.dma_semaphore, #tpu.memory_space<semaphore_mem>>) src(%dma_wait3A_86 : memref<1x1000x512xf32, #tpu.memory_space<vmem>>) dst(%dma_wait3A_81 : memref<1x1000x512xf32, #tpu.memory_space<hbm>>)
      } else {
      }
      %get3A = arith.index_cast %rem3A_40 : i32 to index
      %get3A_57 = arith.constant 0 : index
      %get3A_58 = arith.constant 0 : index
      %get3A_59 = vector.load %arg2[%get3A, %get3A_57, %get3A_58] : memref<2x512x1000xf32, #tpu.memory_space<vmem>>, vector<1x512x1000xf32>
      %get3A_60 = vector.shape_cast %get3A_59 : vector<1x512x1000xf32> to vector<512x1000xf32>
      %transpose3A = tpu.transpose %get3A_60, [1, 0] : vector<512x1000xf32> -> vector<1000x512xf32>
      %swap3A = arith.index_cast %rem3A_40 : i32 to index
      %swap3A_61 = arith.constant 0 : index
      %swap3A_62 = arith.constant 0 : index
      %swap3A_63 = arith.constant 0 : index
      %swap3A_64 = vector.load %arg3[%swap3A, %swap3A_61, %swap3A_62, %swap3A_63] : memref<2x1x1000x512xf32, #tpu.memory_space<vmem>>, vector<1x1x1000x512xf32>
      %swap3A_65 = vector.shape_cast %swap3A_64 : vector<1x1x1000x512xf32> to vector<1000x512xf32>
      %swap3A_66 = vector.shape_cast %transpose3A : vector<1000x512xf32> to vector<1x1x1000x512xf32>
      tpu.vector_store %arg3[%swap3A, %swap3A_61, %swap3A_62, %swap3A_63], %swap3A_66 {strides = array<i32>} : memref<2x1x1000x512xf32, #tpu.memory_space<vmem>>, vector<1x1x1000x512xf32>,
      %dma_start3A_67 = tpu.memref_slice %arg5[%rem3A_40] : memref<2x!tpu.dma_semaphore, #tpu.memory_space<semaphore_mem>> -> memref<1x!tpu.dma_semaphore, #tpu.memory_space<semaphore_mem>>
      %dma_start3A_68 = tpu.memref_squeeze %dma_start3A_67 : memref<1x!tpu.dma_semaphore, #tpu.memory_space<semaphore_mem>> -> memref<!tpu.dma_semaphore, #tpu.memory_space<semaphore_mem>>
      %dma_start3A_69 = arith.constant 0 : i32
      %dma_start3A_70 = arith.constant 0 : i32
      %dma_start3A_71 = tpu.memref_slice %arg1[%scan3A_39, %dma_start3A_69, %dma_start3A_70] : memref<50x1000x1024xf32, #tpu.memory_space<hbm>> -> memref<1x1000x512xf32, #tpu.memory_space<hbm>>
      %dma_start3A_72 = arith.constant 0 : i32
      %dma_start3A_73 = arith.constant 0 : i32
      %dma_start3A_74 = arith.constant 0 : i32
      %dma_start3A_75 = tpu.memref_slice %arg3[%rem3A_40, %dma_start3A_72, %dma_start3A_73, %dma_start3A_74] : memref<2x1x1000x512xf32, #tpu.memory_space<vmem>> -> memref<1x1x1000x512xf32, #tpu.memory_space<vmem>>
      %dma_start3A_76 = tpu.memref_squeeze %dma_start3A_75 : memref<1x1x1000x512xf32, #tpu.memory_space<vmem>> -> memref<1x1000x512xf32, #tpu.memory_space<vmem>>
      tpu.enqueue_dma source(%dma_start3A_76 : memref<1x1000x512xf32, #tpu.memory_space<vmem>>) target(%dma_start3A_71 : memref<1x1000x512xf32, #tpu.memory_space<hbm>>) target_semaphore(%dma_start3A_68 : memref<!tpu.dma_semaphore, #tpu.memory_space<semaphore_mem>>)
    }
    %scan3A_13 = arith.constant 50 : i32
    %dma_wait3A = arith.constant 0 : i32
    %dma_wait3A_14 = arith.constant 0 : i32
    %dma_wait3A_15 = tpu.memref_slice %arg5[%dma_wait3A_14] : memref<2x!tpu.dma_semaphore, #tpu.memory_space<semaphore_mem>> -> memref<1x!tpu.dma_semaphore, #tpu.memory_space<semaphore_mem>>
    %dma_wait3A_16 = tpu.memref_squeeze %dma_wait3A_15 : memref<1x!tpu.dma_semaphore, #tpu.memory_space<semaphore_mem>> -> memref<!tpu.dma_semaphore, #tpu.memory_space<semaphore_mem>>
    %dma_wait3A_17 = arith.constant 0 : i32
    %dma_wait3A_18 = arith.constant 0 : i32
    %dma_wait3A_19 = arith.constant 0 : i32
    %dma_wait3A_20 = tpu.memref_slice %arg1[%dma_wait3A_17, %dma_wait3A_18, %dma_wait3A_19] : memref<50x1000x1024xf32, #tpu.memory_space<hbm>> -> memref<1x1000x512xf32, #tpu.memory_space<hbm>>
    %dma_wait3A_21 = arith.constant 0 : i32
    %dma_wait3A_22 = arith.constant 0 : i32
    %dma_wait3A_23 = arith.constant 0 : i32
    %dma_wait3A_24 = tpu.memref_slice %arg3[%dma_wait3A, %dma_wait3A_21, %dma_wait3A_22, %dma_wait3A_23] : memref<2x1x1000x512xf32, #tpu.memory_space<vmem>> -> memref<1x1x1000x512xf32, #tpu.memory_space<vmem>>
    %dma_wait3A_25 = tpu.memref_squeeze %dma_wait3A_24 : memref<1x1x1000x512xf32, #tpu.memory_space<vmem>> -> memref<1x1000x512xf32, #tpu.memory_space<vmem>>
    tpu.wait_dma2 semaphore(%dma_wait3A_16 : memref<!tpu.dma_semaphore, #tpu.memory_space<semaphore_mem>>) src(%dma_wait3A_25 : memref<1x1000x512xf32, #tpu.memory_space<vmem>>) dst(%dma_wait3A_20 : memref<1x1000x512xf32, #tpu.memory_space<hbm>>)
    %dma_wait3A_26 = arith.constant 1 : i32
    %dma_wait3A_27 = arith.constant 1 : i32
    %dma_wait3A_28 = tpu.memref_slice %arg5[%dma_wait3A_27] : memref<2x!tpu.dma_semaphore, #tpu.memory_space<semaphore_mem>> -> memref<1x!tpu.dma_semaphore, #tpu.memory_space<semaphore_mem>>
    %dma_wait3A_29 = tpu.memref_squeeze %dma_wait3A_28 : memref<1x!tpu.dma_semaphore, #tpu.memory_space<semaphore_mem>> -> memref<!tpu.dma_semaphore, #tpu.memory_space<semaphore_mem>>
    %dma_wait3A_30 = arith.constant 0 : i32
    %dma_wait3A_31 = arith.constant 0 : i32
    %dma_wait3A_32 = arith.constant 0 : i32
    %dma_wait3A_33 = tpu.memref_slice %arg1[%dma_wait3A_30, %dma_wait3A_31, %dma_wait3A_32] : memref<50x1000x1024xf32, #tpu.memory_space<hbm>> -> memref<1x1000x512xf32, #tpu.memory_space<hbm>>
    %dma_wait3A_34 = arith.constant 0 : i32
    %dma_wait3A_35 = arith.constant 0 : i32
    %dma_wait3A_36 = arith.constant 0 : i32
    %dma_wait3A_37 = tpu.memref_slice %arg3[%dma_wait3A_26, %dma_wait3A_34, %dma_wait3A_35, %dma_wait3A_36] : memref<2x1x1000x512xf32, #tpu.memory_space<vmem>> -> memref<1x1x1000x512xf32, #tpu.memory_space<vmem>>
    %dma_wait3A_38 = tpu.memref_squeeze %dma_wait3A_37 : memref<1x1x1000x512xf32, #tpu.memory_space<vmem>> -> memref<1x1000x512xf32, #tpu.memory_space<vmem>>
    tpu.wait_dma2 semaphore(%dma_wait3A_29 : memref<!tpu.dma_semaphore, #tpu.memory_space<semaphore_mem>>) src(%dma_wait3A_38 : memref<1x1000x512xf32, #tpu.memory_space<vmem>>) dst(%dma_wait3A_33 : memref<1x1000x512xf32, #tpu.memory_space<hbm>>)
    return
  }
}

module attributes {stable_mosaic.version = 14 : i64} {
  func.func @_loss_body(%arg0: memref<64x16xf32, #tpu.memory_space<vmem>>, %arg1: memref<1x1xf32, #tpu.memory_space<vmem>>) attributes {dimension_semantics = [], scalar_prefetch = 0 : i64, scratch_operands = 0 : i64, tpu.core_type = #tpu.core_type<tc>} {
    %get3A = arith.constant 0 : index
    %get3A_0 = arith.constant 0 : index
    %get3A_1 = vector.load %arg0[%get3A, %get3A_0] : memref<64x16xf32, #tpu.memory_space<vmem>>, vector<64x16xf32>
    %reduce_sum3A = vector.shape_cast %get3A_1 : vector<64x16xf32> to vector<1x64x16xf32>
    %reduce_sum3A_2 = arith.constant dense<0.000000e+00> : vector<1xf32>
    %reduce_sum3A_3 = vector.multi_reduction <add>, %reduce_sum3A, %reduce_sum3A_2 [1, 2] : vector<1x64x16xf32> to vector<1xf32>
    %reduce_sum3A_4 = vector.shape_cast %reduce_sum3A_3 : vector<1xf32> to vector<1x1x1xf32>
    %reduce_sum3A_5 = vector.extract %reduce_sum3A_4[0, 0, 0] : f32 from vector<1x1x1xf32>
    %div3A = arith.constant 5.120000e+04 : f32
    %div3A_6 = arith.divf %reduce_sum3A_5, %div3A : f32
    %reshape3A = vector.broadcast %div3A_6 : f32 to vector<1x1xf32>
    %swap3A = arith.constant 0 : index
    %swap3A_7 = arith.constant 0 : index
    %swap3A_8 = vector.load %arg1[%swap3A, %swap3A_7] : memref<1x1xf32, #tpu.memory_space<vmem>>, vector<1x1xf32>
    tpu.vector_store %arg1[%swap3A, %swap3A_7], %reshape3A {strides = array<i32>} : memref<1x1xf32, #tpu.memory_space<vmem>>, vector<1x1xf32>,
    return
  }
}

module attributes {stable_mosaic.version = 14 : i64} {
  func.func @_tr_body(%arg0: memref<25600x1000xf32, #tpu.memory_space<hbm>>, %arg1: memref<50x1000x1024xf32, #tpu.memory_space<hbm>>, %arg2: memref<50x1000x1024xf32, #tpu.memory_space<hbm>>, %arg3: memref<2x512x1000xf32, #tpu.memory_space<vmem>>, %arg4: memref<2x1x1000x512xf32, #tpu.memory_space<vmem>>, %arg5: memref<2x!tpu.dma_semaphore, #tpu.memory_space<semaphore_mem>>, %arg6: memref<2x!tpu.dma_semaphore, #tpu.memory_space<semaphore_mem>>) attributes {dimension_semantics = [], scalar_prefetch = 0 : i64, scratch_operands = 4 : i64, tpu.core_type = #tpu.core_type<tc>} {
    %dma_start3A = arith.constant 0 : i32
    %dma_start3A_0 = arith.constant 0 : i32
    %dma_start3A_1 = tpu.memref_slice %arg5[%dma_start3A_0] : memref<2x!tpu.dma_semaphore, #tpu.memory_space<semaphore_mem>> -> memref<1x!tpu.dma_semaphore, #tpu.memory_space<semaphore_mem>>
    %dma_start3A_2 = tpu.memref_squeeze %dma_start3A_1 : memref<1x!tpu.dma_semaphore, #tpu.memory_space<semaphore_mem>> -> memref<!tpu.dma_semaphore, #tpu.memory_space<semaphore_mem>>
    %dma_start3A_3 = arith.constant 0 : i32
    %dma_start3A_4 = arith.constant 0 : i32
    %dma_start3A_5 = tpu.memref_slice %arg3[%dma_start3A, %dma_start3A_3, %dma_start3A_4] : memref<2x512x1000xf32, #tpu.memory_space<vmem>> -> memref<1x512x1000xf32, #tpu.memory_space<vmem>>
    %dma_start3A_6 = tpu.memref_squeeze %dma_start3A_5 : memref<1x512x1000xf32, #tpu.memory_space<vmem>> -> memref<512x1000xf32, #tpu.memory_space<vmem>>
    %dma_start3A_7 = arith.constant 0 : i32
    %dma_start3A_8 = arith.constant 0 : i32
    %dma_start3A_9 = tpu.memref_slice %arg0[%dma_start3A_7, %dma_start3A_8] : memref<25600x1000xf32, #tpu.memory_space<hbm>> -> memref<512x1000xf32, #tpu.memory_space<hbm>>
    tpu.enqueue_dma source(%dma_start3A_9 : memref<512x1000xf32, #tpu.memory_space<hbm>>) target(%dma_start3A_6 : memref<512x1000xf32, #tpu.memory_space<vmem>>) target_semaphore(%dma_start3A_2 : memref<!tpu.dma_semaphore, #tpu.memory_space<semaphore_mem>>)
    %scan3A = arith.constant 0 : i32
    %scan3A_10 = arith.constant 50 : i32
    %scan3A_11 = arith.addi %scan3A, %scan3A_10 : i32
    %scan3A_12 = arith.constant 1 : i32
    scf.for %scan3A_39 = %scan3A to %scan3A_11 step %scan3A_12  : i32 {
      %rem3A = arith.constant 2 : i32
      %rem3A_40 = arith.remsi %scan3A_39, %rem3A : i32
      %add3A = arith.constant 1 : i32
      %add3A_41 = arith.addi %scan3A_39, %add3A : i32
      %lt3A = arith.constant 50 : i32
      %lt3A_42 = arith.cmpi slt, %add3A_41, %lt3A : i32
      %convert_element_type3A = arith.extui %lt3A_42 : i1 to i32
      %cond3A = arith.constant 0 : i32
      %cond3A_43 = arith.cmpi ne, %convert_element_type3A, %cond3A : i32
      scf.if %cond3A_43 {
        %add3A_77 = arith.constant 1 : i32
        %add3A_78 = arith.addi %scan3A_39, %add3A_77 : i32
        %add3A_79 = arith.constant 1 : i32
        %add3A_80 = arith.addi %scan3A_39, %add3A_79 : i32
        %rem3A_81 = arith.constant 2 : i32
        %rem3A_82 = arith.remsi %add3A_80, %rem3A_81 : i32
        %mul3A_83 = arith.constant 512 : i32
        %mul3A_84 = arith.muli %add3A_78, %mul3A_83 : i32
        %dma_start3A_85 = tpu.memref_slice %arg5[%rem3A_82] : memref<2x!tpu.dma_semaphore, #tpu.memory_space<semaphore_mem>> -> memref<1x!tpu.dma_semaphore, #tpu.memory_space<semaphore_mem>>
        %dma_start3A_86 = tpu.memref_squeeze %dma_start3A_85 : memref<1x!tpu.dma_semaphore, #tpu.memory_space<semaphore_mem>> -> memref<!tpu.dma_semaphore, #tpu.memory_space<semaphore_mem>>
        %dma_start3A_87 = arith.constant 0 : i32
        %dma_start3A_88 = arith.constant 0 : i32
        %dma_start3A_89 = tpu.memref_slice %arg3[%rem3A_82, %dma_start3A_87, %dma_start3A_88] : memref<2x512x1000xf32, #tpu.memory_space<vmem>> -> memref<1x512x1000xf32, #tpu.memory_space<vmem>>
        %dma_start3A_90 = tpu.memref_squeeze %dma_start3A_89 : memref<1x512x1000xf32, #tpu.memory_space<vmem>> -> memref<512x1000xf32, #tpu.memory_space<vmem>>
        %dma_start3A_91 = arith.constant 0 : i32
        %dma_start3A_92 = tpu.memref_slice %arg0[%mul3A_84, %dma_start3A_91] : memref<25600x1000xf32, #tpu.memory_space<hbm>> -> memref<512x1000xf32, #tpu.memory_space<hbm>>
        tpu.enqueue_dma source(%dma_start3A_92 : memref<512x1000xf32, #tpu.memory_space<hbm>>) target(%dma_start3A_90 : memref<512x1000xf32, #tpu.memory_space<vmem>>) target_semaphore(%dma_start3A_86 : memref<!tpu.dma_semaphore, #tpu.memory_space<semaphore_mem>>)
      } else {
      }
      %mul3A = arith.constant 512 : i32
      %mul3A_44 = arith.muli %scan3A_39, %mul3A : i32
      %dma_wait3A_45 = tpu.memref_slice %arg5[%rem3A_40] : memref<2x!tpu.dma_semaphore, #tpu.memory_space<semaphore_mem>> -> memref<1x!tpu.dma_semaphore, #tpu.memory_space<semaphore_mem>>
      %dma_wait3A_46 = tpu.memref_squeeze %dma_wait3A_45 : memref<1x!tpu.dma_semaphore, #tpu.memory_space<semaphore_mem>> -> memref<!tpu.dma_semaphore, #tpu.memory_space<semaphore_mem>>
      %dma_wait3A_47 = arith.constant 0 : i32
      %dma_wait3A_48 = arith.constant 0 : i32
      %dma_wait3A_49 = tpu.memref_slice %arg3[%rem3A_40, %dma_wait3A_47, %dma_wait3A_48] : memref<2x512x1000xf32, #tpu.memory_space<vmem>> -> memref<1x512x1000xf32, #tpu.memory_space<vmem>>
      %dma_wait3A_50 = tpu.memref_squeeze %dma_wait3A_49 : memref<1x512x1000xf32, #tpu.memory_space<vmem>> -> memref<512x1000xf32, #tpu.memory_space<vmem>>
      %dma_wait3A_51 = arith.constant 0 : i32
      %dma_wait3A_52 = tpu.memref_slice %arg0[%mul3A_44, %dma_wait3A_51] : memref<25600x1000xf32, #tpu.memory_space<hbm>> -> memref<512x1000xf32, #tpu.memory_space<hbm>>
      tpu.wait_dma2 semaphore(%dma_wait3A_46 : memref<!tpu.dma_semaphore, #tpu.memory_space<semaphore_mem>>) src(%dma_wait3A_52 : memref<512x1000xf32, #tpu.memory_space<hbm>>) dst(%dma_wait3A_50 : memref<512x1000xf32, #tpu.memory_space<vmem>>)
      %ge3A = arith.constant 2 : i32
      %ge3A_53 = arith.cmpi sge, %scan3A_39, %ge3A : i32
      %convert_element_type3A_54 = arith.extui %ge3A_53 : i1 to i32
      %cond3A_55 = arith.constant 0 : i32
      %cond3A_56 = arith.cmpi ne, %convert_element_type3A_54, %cond3A_55 : i32
      scf.if %cond3A_56 {
        %dma_wait3A_77 = tpu.memref_slice %arg6[%rem3A_40] : memref<2x!tpu.dma_semaphore, #tpu.memory_space<semaphore_mem>> -> memref<1x!tpu.dma_semaphore, #tpu.memory_space<semaphore_mem>>
        %dma_wait3A_78 = tpu.memref_squeeze %dma_wait3A_77 : memref<1x!tpu.dma_semaphore, #tpu.memory_space<semaphore_mem>> -> memref<!tpu.dma_semaphore, #tpu.memory_space<semaphore_mem>>
        %dma_wait3A_79 = arith.constant 0 : i32
        %dma_wait3A_80 = arith.constant 512 : i32
        %dma_wait3A_81 = tpu.memref_slice %arg2[%scan3A_39, %dma_wait3A_79, %dma_wait3A_80] : memref<50x1000x1024xf32, #tpu.memory_space<hbm>> -> memref<1x1000x512xf32, #tpu.memory_space<hbm>>
        %dma_wait3A_82 = arith.constant 0 : i32
        %dma_wait3A_83 = arith.constant 0 : i32
        %dma_wait3A_84 = arith.constant 0 : i32
        %dma_wait3A_85 = tpu.memref_slice %arg4[%rem3A_40, %dma_wait3A_82, %dma_wait3A_83, %dma_wait3A_84] : memref<2x1x1000x512xf32, #tpu.memory_space<vmem>> -> memref<1x1x1000x512xf32, #tpu.memory_space<vmem>>
        %dma_wait3A_86 = tpu.memref_squeeze %dma_wait3A_85 : memref<1x1x1000x512xf32, #tpu.memory_space<vmem>> -> memref<1x1000x512xf32, #tpu.memory_space<vmem>>
        tpu.wait_dma2 semaphore(%dma_wait3A_78 : memref<!tpu.dma_semaphore, #tpu.memory_space<semaphore_mem>>) src(%dma_wait3A_86 : memref<1x1000x512xf32, #tpu.memory_space<vmem>>) dst(%dma_wait3A_81 : memref<1x1000x512xf32, #tpu.memory_space<hbm>>)
      } else {
      }
      %get3A = arith.index_cast %rem3A_40 : i32 to index
      %get3A_57 = arith.constant 0 : index
      %get3A_58 = arith.constant 0 : index
      %get3A_59 = vector.load %arg3[%get3A, %get3A_57, %get3A_58] : memref<2x512x1000xf32, #tpu.memory_space<vmem>>, vector<1x512x1000xf32>
      %get3A_60 = vector.shape_cast %get3A_59 : vector<1x512x1000xf32> to vector<512x1000xf32>
      %transpose3A = tpu.transpose %get3A_60, [1, 0] : vector<512x1000xf32> -> vector<1000x512xf32>
      %swap3A = arith.index_cast %rem3A_40 : i32 to index
      %swap3A_61 = arith.constant 0 : index
      %swap3A_62 = arith.constant 0 : index
      %swap3A_63 = arith.constant 0 : index
      %swap3A_64 = vector.load %arg4[%swap3A, %swap3A_61, %swap3A_62, %swap3A_63] : memref<2x1x1000x512xf32, #tpu.memory_space<vmem>>, vector<1x1x1000x512xf32>
      %swap3A_65 = vector.shape_cast %swap3A_64 : vector<1x1x1000x512xf32> to vector<1000x512xf32>
      %swap3A_66 = vector.shape_cast %transpose3A : vector<1000x512xf32> to vector<1x1x1000x512xf32>
      tpu.vector_store %arg4[%swap3A, %swap3A_61, %swap3A_62, %swap3A_63], %swap3A_66 {strides = array<i32>} : memref<2x1x1000x512xf32, #tpu.memory_space<vmem>>, vector<1x1x1000x512xf32>,
      %dma_start3A_67 = tpu.memref_slice %arg6[%rem3A_40] : memref<2x!tpu.dma_semaphore, #tpu.memory_space<semaphore_mem>> -> memref<1x!tpu.dma_semaphore, #tpu.memory_space<semaphore_mem>>
      %dma_start3A_68 = tpu.memref_squeeze %dma_start3A_67 : memref<1x!tpu.dma_semaphore, #tpu.memory_space<semaphore_mem>> -> memref<!tpu.dma_semaphore, #tpu.memory_space<semaphore_mem>>
      %dma_start3A_69 = arith.constant 0 : i32
      %dma_start3A_70 = arith.constant 512 : i32
      %dma_start3A_71 = tpu.memref_slice %arg2[%scan3A_39, %dma_start3A_69, %dma_start3A_70] : memref<50x1000x1024xf32, #tpu.memory_space<hbm>> -> memref<1x1000x512xf32, #tpu.memory_space<hbm>>
      %dma_start3A_72 = arith.constant 0 : i32
      %dma_start3A_73 = arith.constant 0 : i32
      %dma_start3A_74 = arith.constant 0 : i32
      %dma_start3A_75 = tpu.memref_slice %arg4[%rem3A_40, %dma_start3A_72, %dma_start3A_73, %dma_start3A_74] : memref<2x1x1000x512xf32, #tpu.memory_space<vmem>> -> memref<1x1x1000x512xf32, #tpu.memory_space<vmem>>
      %dma_start3A_76 = tpu.memref_squeeze %dma_start3A_75 : memref<1x1x1000x512xf32, #tpu.memory_space<vmem>> -> memref<1x1000x512xf32, #tpu.memory_space<vmem>>
      tpu.enqueue_dma source(%dma_start3A_76 : memref<1x1000x512xf32, #tpu.memory_space<vmem>>) target(%dma_start3A_71 : memref<1x1000x512xf32, #tpu.memory_space<hbm>>) target_semaphore(%dma_start3A_68 : memref<!tpu.dma_semaphore, #tpu.memory_space<semaphore_mem>>)
    }
    %scan3A_13 = arith.constant 50 : i32
    %dma_wait3A = arith.constant 0 : i32
    %dma_wait3A_14 = arith.constant 0 : i32
    %dma_wait3A_15 = tpu.memref_slice %arg6[%dma_wait3A_14] : memref<2x!tpu.dma_semaphore, #tpu.memory_space<semaphore_mem>> -> memref<1x!tpu.dma_semaphore, #tpu.memory_space<semaphore_mem>>
    %dma_wait3A_16 = tpu.memref_squeeze %dma_wait3A_15 : memref<1x!tpu.dma_semaphore, #tpu.memory_space<semaphore_mem>> -> memref<!tpu.dma_semaphore, #tpu.memory_space<semaphore_mem>>
    %dma_wait3A_17 = arith.constant 0 : i32
    %dma_wait3A_18 = arith.constant 0 : i32
    %dma_wait3A_19 = arith.constant 512 : i32
    %dma_wait3A_20 = tpu.memref_slice %arg2[%dma_wait3A_17, %dma_wait3A_18, %dma_wait3A_19] : memref<50x1000x1024xf32, #tpu.memory_space<hbm>> -> memref<1x1000x512xf32, #tpu.memory_space<hbm>>
    %dma_wait3A_21 = arith.constant 0 : i32
    %dma_wait3A_22 = arith.constant 0 : i32
    %dma_wait3A_23 = arith.constant 0 : i32
    %dma_wait3A_24 = tpu.memref_slice %arg4[%dma_wait3A, %dma_wait3A_21, %dma_wait3A_22, %dma_wait3A_23] : memref<2x1x1000x512xf32, #tpu.memory_space<vmem>> -> memref<1x1x1000x512xf32, #tpu.memory_space<vmem>>
    %dma_wait3A_25 = tpu.memref_squeeze %dma_wait3A_24 : memref<1x1x1000x512xf32, #tpu.memory_space<vmem>> -> memref<1x1000x512xf32, #tpu.memory_space<vmem>>
    tpu.wait_dma2 semaphore(%dma_wait3A_16 : memref<!tpu.dma_semaphore, #tpu.memory_space<semaphore_mem>>) src(%dma_wait3A_25 : memref<1x1000x512xf32, #tpu.memory_space<vmem>>) dst(%dma_wait3A_20 : memref<1x1000x512xf32, #tpu.memory_space<hbm>>)
    %dma_wait3A_26 = arith.constant 1 : i32
    %dma_wait3A_27 = arith.constant 1 : i32
    %dma_wait3A_28 = tpu.memref_slice %arg6[%dma_wait3A_27] : memref<2x!tpu.dma_semaphore, #tpu.memory_space<semaphore_mem>> -> memref<1x!tpu.dma_semaphore, #tpu.memory_space<semaphore_mem>>
    %dma_wait3A_29 = tpu.memref_squeeze %dma_wait3A_28 : memref<1x!tpu.dma_semaphore, #tpu.memory_space<semaphore_mem>> -> memref<!tpu.dma_semaphore, #tpu.memory_space<semaphore_mem>>
    %dma_wait3A_30 = arith.constant 0 : i32
    %dma_wait3A_31 = arith.constant 0 : i32
    %dma_wait3A_32 = arith.constant 512 : i32
    %dma_wait3A_33 = tpu.memref_slice %arg2[%dma_wait3A_30, %dma_wait3A_31, %dma_wait3A_32] : memref<50x1000x1024xf32, #tpu.memory_space<hbm>> -> memref<1x1000x512xf32, #tpu.memory_space<hbm>>
    %dma_wait3A_34 = arith.constant 0 : i32
    %dma_wait3A_35 = arith.constant 0 : i32
    %dma_wait3A_36 = arith.constant 0 : i32
    %dma_wait3A_37 = tpu.memref_slice %arg4[%dma_wait3A_26, %dma_wait3A_34, %dma_wait3A_35, %dma_wait3A_36] : memref<2x1x1000x512xf32, #tpu.memory_space<vmem>> -> memref<1x1x1000x512xf32, #tpu.memory_space<vmem>>
    %dma_wait3A_38 = tpu.memref_squeeze %dma_wait3A_37 : memref<1x1x1000x512xf32, #tpu.memory_space<vmem>> -> memref<1x1000x512xf32, #tpu.memory_space<vmem>>
    tpu.wait_dma2 semaphore(%dma_wait3A_29 : memref<!tpu.dma_semaphore, #tpu.memory_space<semaphore_mem>>) src(%dma_wait3A_38 : memref<1x1000x512xf32, #tpu.memory_space<vmem>>) dst(%dma_wait3A_33 : memref<1x1000x512xf32, #tpu.memory_space<hbm>>)
    return
  }
}

</mosaic_0001>

<sc_bundles>
// kernel: kernel.11.cloned.1.call-start
scs
__scs_entry_jumppad:
0x0: {  	(pc) =	sbr.rel $0x88, $3  }
0x1: {  	(tag) =	ssettag $0x0;
	lr =	simm.s32 $0x1  }
0x2: {  	[smem:$0x3F9E] =	sst lr;
	_ =	strace $0xD0000000  }
0x3: {  	_ = 	snop  }
0x4: {  	_ = 	snop  }
0x5: {  	_ = 	snop  }
0x6: {  	_ = 	snop  }
0x7: {  	_ = 	snop  }
__scs_overlays_trampoline_lowered:
0x8: {  	[smem:$0x3FAD] =	sst s0  }
0x9: {  	[smem:$0x3FAE] =	sst s1  }
0xa: {  	[smem:$0x3FAF] =	sst s2  }
0xb: {  	[smem:$0x3FB0] =	sst s3  }
0xc: {  	[smem:$0x3FB1] =	sst s4  }
0xd: {  	[smem:$0x3FB2] =	sst s5  }
0xe: {  	[smem:$0x3FB3] =	sst s6  }
0xf: {  	[smem:$0x3FB4] =	sst s7  }
0x10: {  	[smem:$0x3FB5] =	sst s8  }
0x11: {  	[smem:$0x3FB6] =	sst s9;
	s0 =	simm.s32 @!p0 $0x0  }
0x12: {  	s1 =	sld [smem:$0x3F9C];
	s0 =	simm.s32 @p0 $0x1  }
0x13: {  	[smem:$0x3FB7] =	sst s0;
	s0 =	simm.s32 @!p1 $0x0  }
0x14: {  	s2 =	sld [smem:$0x3F9B];
	s0 =	simm.s32 @p1 $0x1  }
0x15: {  	[smem:$0x3FB8] =	sst s0;
	s0 =	simm.s32 @!p2 $0x0  }
0x16: {  	s3 =	sld [smem:$0x3FDB];
	s0 =	simm.s32 @p2 $0x1  }
0x17: {  	s4 =	simm.s32 $0x1BF5;
	[smem:$0x3FBA] =	sst s0  }
0x18: {  	s0 =	sld [smem:$0x3F9D];
	_ =	swait.ge [sflag:s4], $0x0  }
0x19: {  	s7 =	sld [smem:$0x3F9E]  }
0x1a: {  	s8 =	sadd.s32 $0xFFFFE003, lr  }
0x1b: {  	s9 =	sadd.s32 $0xFFFFFEF7, lr;
	s5 =	simm.s32 $0xFFFFFFFF;
	p2 =	slt.u32 s8, $0xFFFFF086  }
0x1c: {  	p1 =	slt.u32 s9, $0xF7A;
	s5 =	simm.s32 @!p2 $0x0  }
0x1d: {  	s5 =	simm.s32 @p1 $0x1;
	p0 =	seq.s32 s7, s2  }
0x1e: {  	s7 =	smul.u32 @!p0 $0xF7A, s2;
	p2 =	seq.s32 @!p0 s5, $0x0  }
0x1f: {  	s9 =	smul.u32 $0xF7A, s1;
	s8 =	simm.s32 @!p0 $0x1BF5;
	p2 =	por !p2, p0  }
0x20: {  	[sflag:s8] =	ssyncset.s32 @!p0 $0xFFFFF086;
	s6 =	sadd.s32 @!p0 s3, s7;
	s7 =	simm.s32 @!p0 $0x108  }
0x21: {  	s3 =	sadd.s32 s3, s9;
	s6 =	sadd.s32 @!p0 $0x88, s6;
	s7 =	simm.s32 @p2 $0x1082  }
0x22: {  	[simem:s7], [sflag:s8] =	dma.local @!p0 [hbm:s6], $0xF7A  }
0x23: {  	s9 =	sor.u32 $0xD0000000, s2;
	s6 =	simm.s32 $0x108;
	_ =	swait.ge @!p0 [sflag:s8], $0x0  }
0x24: {  	s3 =	sadd.s32 $0x88, s3;
	s6 =	simm.s32 @!p1 $0x1082;
	[sflag:s4] =	ssyncset.s32 $0xFFFFF086  }
0x25: {  	[simem:s6], [sflag:s4] =	dma.local [hbm:s3], $0xF7A  }
0x26: {  	[smem:$0x3F9E] =	sst s1;
	(tag) =	ssettag s2;
	_ =	strace s9  }
0x27: {  	s1 =	sld [smem:$0x3FAE]  }
0x28: {  	s2 =	sld [smem:$0x3FAF]  }
0x29: {  	s4 =	sld [smem:$0x3FB1]  }
0x2a: {  	p0 =	seq.s32 s5, $0x0;
	s5 =	sld [smem:$0x3FB2]  }
0x2b: {  	s6 =	sld [smem:$0x3FB3]  }
0x2c: {  	s7 =	sld [smem:$0x3FB4]  }
0x2d: {  	s3 =	simm.s32 $0x108;
	s8 =	sld [smem:$0x3FB5]  }
0x2e: {  	s3 =	simm.s32 @!p0 $0x1082;
	s9 =	sld [smem:$0x3FB6]  }
0x2f: {  	lr =	sadd.s32 s0, s3;
	s0 =	sld [smem:$0x3FAD]  }
0x30: {  	s3 =	sld [smem:$0x3FB0]  }
0x31: {  	[smem:$0x3FB9] =	sst s10  }
0x32: {  	s10 =	sld [smem:$0x3FB7];
	_ =	sdelay $0x3  }
0x33: {  	p0 =	seq.s32 s10, $0x1;
	s10 =	sld [smem:$0x3FB9];
	_ =	sdelay $0x3  }
0x34: {  	[smem:$0x3FB9] =	sst s10  }
0x35: {  	s10 =	sld [smem:$0x3FB8];
	_ =	sdelay $0x3  }
0x36: {  	p1 =	seq.s32 s10, $0x1;
	s10 =	sld [smem:$0x3FB9];
	_ =	sdelay $0x3  }
0x37: {  	[smem:$0x3FB9] =	sst s10  }
0x38: {  	s10 =	sld [smem:$0x3FBA]  }
0x39: {  	_ = 	snop;
	(pc) =	sbr.ind lr, $3  }
0x3a: {  	_ = 	snop  }
0x3b: {  	_ = 	snop  }
0x3c: {  	p2 =	seq.s32 s10, $0x1;
	s10 =	sld [smem:$0x3FB9]  }
0x3d: {  	_ =	shalt  }
0x3e: {  	_ =	shalt  }
0x3f: {  	_ =	shalt  }
0x40: {  	_ =	shalt  }
0x41: {  	_ =	shalt  }
0x42: {  	_ =	shalt  }
0x43: {  	_ =	shalt  }
0x44: {  	_ =	shalt  }
0x45: {  	_ =	shalt  }
0x46: {  	_ =	shalt  }
0x47: {  	_ =	shalt  }
0x48: {  	_ =	shalt  }
0x49: {  	_ =	shalt  }
0x4a: {  	_ =	shalt  }
0x4b: {  	_ =	shalt  }
0x4c: {  	_ =	shalt  }
0x4d: {  	_ =	shalt  }
0x4e: {  	_ =	shalt  }
0x4f: {  	_ =	shalt  }
0x50: {  	_ =	shalt  }
0x51: {  	_ =	shalt  }
0x52: {  	_ =	shalt  }
0x53: {  	_ =	shalt  }
0x54: {  	_ =	shalt  }
0x55: {  	_ =	shalt  }
0x56: {  	_ =	shalt  }
0x57: {  	_ =	shalt  }
0x58: {  	_ =	shalt  }
0x59: {  	_ =	shalt  }
0x5a: {  	_ =	shalt  }
0x5b: {  	_ =	shalt  }
0x5c: {  	_ =	shalt  }
0x5d: {  	_ =	shalt  }
0x5e: {  	_ =	shalt  }
0x5f: {  	_ =	shalt  }
0x60: {  	_ =	shalt  }
0x61: {  	_ =	shalt  }
0x62: {  	_ =	shalt  }
0x63: {  	_ =	shalt  }
0x64: {  	_ =	shalt  }
0x65: {  	_ =	shalt  }
0x66: {  	_ =	shalt  }
0x67: {  	_ =	shalt  }
0x68: {  	_ =	shalt  }
0x69: {  	_ =	shalt  }
0x6a: {  	_ =	shalt  }
0x6b: {  	_ =	shalt  }
0x6c: {  	_ =	shalt  }
0x6d: {  	_ =	shalt  }
0x6e: {  	_ =	shalt  }
0x6f: {  	_ =	shalt  }
0x70: {  	_ =	shalt  }
0x71: {  	_ =	shalt  }
0x72: {  	_ =	shalt  }
0x73: {  	_ =	shalt  }
0x74: {  	_ =	shalt  }
0x75: {  	_ =	shalt  }
0x76: {  	_ =	shalt  }
0x77: {  	_ =	shalt  }
0x78: {  	_ =	shalt  }
0x79: {  	_ =	shalt  }
0x7a: {  	_ =	shalt  }
0x7b: {  	_ =	shalt  }
0x7c: {  	_ =	shalt  }
0x7d: {  	_ =	shalt  }
0x7e: {  	_ =	shalt  }
0x7f: {  	_ =	shalt  }
0x80: {  	_ =	shalt  }
0x81: {  	_ =	shalt  }
0x82: {  	_ =	shalt  }
0x83: {  	_ =	shalt  }
0x84: {  	_ =	shalt  }
0x85: {  	_ =	shalt  }
0x86: {  	_ =	shalt  }
0x87: {  	_ =	shalt  }
.Lfunc_end0:
.L_simem_size_0:
called_computation.1_lowered:
.L_overlay_start_0:
0x88: {  	s2 =	sld [smem:$0x3FD9]  }
0x89: {  	s3 =	sld [smem:$0x3FFE];
	_ =	sdelay $0x1  }
0x8a: {  	s1 =	srdreg.scid  }
0x8b: {  	s0 =	sand.u32 $0x1, s1  }
0x8c: {  	s17 =	sshll.u32 s0, $0xA;
	s2 =	sadd.s32 s3, s2  }
0x8d: {  	s2 =	sadd.s32 s2, s17  }
0x8e: {  	[smem:$0x3FC5] =	sst s2  }
0x8f: {  	_ = 	snop  }
0x90: {  	(tm) =	ssettm $0x1  }
0x91: {  	s18 =	sld [smem:$0x3FFB];
	_ =	sdelay $0x3  }
0x92: {  	_ =	strace s18  }
0x93: {  	s2 =	sld [smem:$0x3FFC];
	_ =	sdelay $0x3  }
0x94: {  	_ =	strace s2  }
0x95: {  	s2 =	sld [smem:$0x3FFD];
	_ =	sdelay $0x3  }
0x96: {  	_ =	strace s2  }
0x97: {  	_ =	strace $0x8FFFFFFF  }
0x98: {  	s19 =	sld [smem:$0x3FDB];
	_ =	sdelay $0x1  }
0x99: {  	s20 =	simm.s32 $_scs_section_size  }
0x9a: {  	s4 =	simm.s32 $_size__tile_overlayer_lowered;
	s5 =	simm.s32 $_tile_overlayer_lowered  }
0x9b: {  	s6 =	simm.s32 $0x1BFF;
	s21 =	sshll.u32 s5, $0x1;
	s3 =	sadd.s32 s20, s19  }
0x9c: {  	s22 =	simm.s32 $0x0;
	s4 =	sshll.u32 s4, $0x1;
	s5 =	sadd.s32 s21, s3  }
0x9d: {  	[timem:s22], [sflag:s6] =	dma.local [hbm:s5], s4  }
0x9e: {  	_ =	swait.ge [sflag:s6], s4  }
0x9f: {  	s4 =	ssub.s32 $0x0, s4;
	[sflag:s6] =	ssyncset.done $0x0  }
0xa0: {  	[sflag:s6] =	ssyncadd.s32 s4;
	_ =	sdelay $0x1  }
0xa1: {  	s23 =	simm.s32 $0x1B8B  }
0xa2: {  	_ =	swait.ge [sflag:s23], $0x1  }
0xa3: {  	[sflag:s23] =	ssyncset.done $0x0  }
0xa4: {  	[sflag:s23] =	ssyncadd.s32 $0xFFFFFFFF  }
0xa5: {  	s4 =	sld [smem:$0x0]  }
0xa6: {  	s5 =	sand.u32 $0xFFFFFFFE, s1  }
0xa7: {  	p0 =	sne.s32 s1, s5  }
0xa8: {  	s5 =	sshll.u32 @p0 s5, $0xE  }
0xa9: {  	s5 =	sadd.s32 @p0 $0x11B8D, s5;
	s6 =	sshll.u32 @p0 s4, $0x11  }
0xaa: {  	s5 =	sor.u32 @p0 s6, s5  }
0xab: {  	[sflag:s5] =	ssyncadd.remote.s32 @p0 $0x1;
	_ =	sdelay $0x1  }
0xac: {  	s5 =	simm.s32 @p0 $0x1B8D  }
0xad: {  	_ =	swait.eq @p0 [sflag:s5], $0x1  }
0xae: {  	[sflag:s5] =	ssyncadd.s32 @p0 $0xFFFFFFFF  }
0xaf: {  	s6 =	sshll.u32 @!p0 s1, $0xE  }
0xb0: {  	s6 =	sor.u32 @!p0 $0x4000, s6;
	s5 =	simm.s32 @!p0 $0x1B8D  }
0xb1: {  	s4 =	sshll.u32 @!p0 s4, $0x11;
	s6 =	sadd.s32 @!p0 $0x11B8D, s6;
	_ =	swait.eq @!p0 [sflag:s5], $0x1  }
0xb2: {  	s4 =	sor.u32 @!p0 s4, s6;
	[sflag:s5] =	ssyncadd.s32 @!p0 $0xFFFFFFFF  }
0xb3: {  	s25 =	simm.s32 $0x1B8E;
	s24 =	sld [smem:$0x3FFE];
	[sflag:s4] =	ssyncadd.remote.s32 @!p0 $0x1  }
0xb4: {  	s26 =	simm.s32 $execute0_lowered;
	[smem:$0x3FD2] =	sst s25  }
0xb5: {  	s5 =	sshll.u32 s26, $0x1;
	_ =	strace $0x80000049;
	[dreg:$0x1] =	wrdreg $0xFFFFFFFF  }
0xb6: {  	s28 =	simm.s32 $_size_execute0_lowered;
	s3 =	sadd.s32 s3, s5;
	[dreg:$0x0] =	wrdreg $0x0  }
0xb7: {  	s5 =	sshll.u32 s28, $0x1;
	[dreg:$0x2] =	wrdreg s3  }
0xb8: {  	[dreg:$0x3] =	wrdreg s5  }
0xb9: {  	[dreg:$0x4] =	wrdreg $0xC0  }
0xba: {  	_ =	task [dreg:s22], $0x5FFFF  }
0xbb: {  	[dreg:$0x1] =	wrdreg $0xFFFFFFFF  }
0xbc: {  	[dreg:$0x0] =	wrdreg $0x60  }
0xbd: {  	[dreg:$0x2] =	wrdreg s24  }
0xbe: {  	[dreg:$0x3] =	wrdreg $0xA  }
0xbf: {  	_ =	task.clear_ibuf [dreg:s22], $0x4FFFF;
	_ =	strace $0x90000049  }
0xc0: {  	s29 =	simm.s32 $0xA;
	_ =	strace $0x8000004B  }
0xc1: {  	_ =	swait.ge [sflag:s29], $0x1  }
0xc2: {  	[sflag:s29] =	ssyncadd.s32 $0xFFFFFFFF  }
0xc3: {  	_ =	strace $0x9000004B  }
0xc4: {  	_ =	sfence  }
0xc5: {  	s30 =	sld [smem:$0x0];
	_ =	sdelay $0x2  }
0xc6: {  	s31 =	sshll.u32 s1, $0xD;
	s1 =	sshrl.u32 s1, $0x2  }
0xc7: {  	s4 =	sand.u32 $0x4000, s31;
	s1 =	sadd.s32 s1, s30  }
0xc8: {  	s0 =	sor.u32 s4, s0;
	s1 =	sshll.u32 s1, $0x11  }
0xc9: {  	s0 =	sor.u32 s1, s0  }
0xca: {  	s0 =	sadd.s32 $0x8F2B, s0  }
0xcb: {  	[sflag:s0] =	ssyncadd.remote.s32 $0x1  }
0xcc: {  	_ =	sfence.sel $0xFFFF  }
0xcd: {  	[dreg:$0x0] =	wrdreg $0xFFFFFFFF;
	(pc) =	sbr.abs _section_cstart, $3  }
0xce: {  	[dreg:$0x1] =	wrdreg $0xFFFFFFFF  }
0xcf: {  	_ =	task.clear_ibuf [dreg:s22], $0x2FFFF;
	_ =	strace $0x9FFFFFFF  }
0xd0: {  	(tm) =	ssettm $0x7FFFFFFF  }
0xd1: {  	_ =	shalt  }
tec
execute0_lowered:
.L_overlay_start_1:
0x0: {  	(tag) =	ssettag $0x1  }
0x1: {  	s0 =	rddreg [dreg:$0x0];
	s2 =	simm.s32 $0x0  }
0x2: {  	s3 =	srdreg.scid;
	s1 =	stileid.u32;
	s16 =	simm.s32 $0x80  }
0x3: {  	s22 =	simm.s32 $0x4;
	s23 =	simm.s32 $0x5;
	s24 =	simm.s32 $0x6  }
0x4: {  	[smem:$0x7FF] =	sst s2;
	s5 =	sand.u32 $0x1, s3;
	s6 =	sshll.u32 s1, $0x1  }
0x5: {  	s3 =	sadd.s32 $0x1800, s0;
	s4 =	sadd.s32 $0x23400, s0;
	s9 =	sadd.s32 $0x42000, s0  }
0x6: {  	s7 =	sadd.s32 $0x45400, s0;
	s10 =	smul.u32 $0x32, s1;
	_ =	strace $0x8000004A  }
0x7: {  	s6 =	sor.u32 s5, s6;
	s26 =	ssub.s32 $0x2, s5;
	s5 =	smul.u32 $0x19, s5  }
0x8: {  	[dreg:$0x2] =	wrdreg s7;
	s8 =	smul.u32 $0xC80, s6;
	s25 =	sshll.u32 s6, $0x1  }
0x9: {  	s11 =	sshrl.u32 s26, $0x1;
	s6 =	smul.u32 $0x190, s6;
	s0 =	sadd.s32 s25, s0  }
0xa: {  	s11 =	ssub.s32 s26, s11;
	s29 =	sadd.s32 s5, s10;
	s26 =	simm.s32 $0x0  }
0xb: {  	s8 =	sshrl.u32 s8, $0x3;
	s30 =	sadd.s32 s9, s6;
	s10 =	sshll.u32 s29, $0x4  }
0xc: {  	s7 =	sadd.s32 $0x45200, s0;
	s28 =	sadd.s32 s9, s8;
	[dreg:$0x3] =	wrdreg s30  }
0xd: {  	s8 =	smax.u32 s11, $0x1;
	s31 =	sadd.s32 s9, s10;
	s10 =	simm.s32 $0xD  }
0xe: {  	v0 =	vimm.f32 $0.0e+00;
	s11 =	simm.s32 $0x20;
	s6 =	sadd.s32 $0x10, s28;
	s9 =	sadd.s32 $0x20, s31  }
.LBB2_1:
0xf: {  	[tilespmem:$0x17940] =	vst v0;
	s0 =	rddreg [dreg:$0x3]  }
0x10: {  	[tilespmem:s2], [sflag:$0xD] =	stream.linear.gather [hbm4b:s0+s2], $0x80, $0x38;
	[tilespmem:$0x17950] =	vst v63  }
0x11: {  	_ =	swait.ge [sflag:s10], $0x80  }
0x12: {  	s18 =	simm.s32 $0x180;
	[sflag:s10] =	ssyncset.done $0x0  }
0x13: {  	p0 =	por $0x0, $0x0;
	s0 =	simm.s32 $0x2;
	[sflag:s10] =	ssyncadd.s32 $0xFFFFFF80  }
0x14: {  	[tilespmem:s18], [sflag:$0x1] =	stream.indirect.gather [hbm4b:s3+s11], $0x3E8, s2, s11, $0xb8;
	[tilespmem:$0x17950] =	vst v63  }
0x15: {  	s19 =	simm.s32 $0x17880;
	s20 =	simm.s32 $0x40;
	s0 =	smul.u32 @!p0 $0xAB, s0  }
0x16: {  	[tilespmem:s19], [sflag:$0x7] =	stream.indirect.gather [hbm4b:s4+s11], $0x1, s11, s11, $0xb8;
	[tilespmem:$0x17950] =	vst v63  }
0x17: {  	s1 =	simm.s32 $0x178E0;
	s21 =	simm.s32 $0x7E80;
	s0 =	sshrl.u32 @!p0 s0, $0x9  }
0x18: {  	[tilespmem:s1], [sflag:$0xA] =	stream.indirect.gather [hbm4b:s4+s11], $0x1, s20, s11, $0xb8;
	[tilespmem:$0x17950] =	vst v63  }
0x19: {  	s25 =	simm.s32 $0xA0;
	s28 =	smul.u32 $0xAB, s2;
	s0 =	sand.u32 @!p0 $0x7F, s0  }
0x1a: {  	[tilespmem:s16], [sflag:$0xD] =	stream.linear.gather [hbm4b:s6+s2], $0x80, $0x38;
	[tilespmem:$0x17950] =	vst v63  }
0x1b: {  	s5 =	simm.s32 $0x178A0;
	s0 =	smul.u32 @!p0 $0x3, s0;
	_ =	swait.ge [sflag:s10], $0x80  }
0x1c: {  	s12 =	simm.s32 $0xC0;
	p1 =	por @!p0 $0x1, $0x1;
	[sflag:s10] =	ssyncset.done $0x0  }
0x1d: {  	s28 =	sshrl.u32 s28, $0x9;
	s0 =	ssub.s32 @!p0 $0x2, s0;
	[sflag:s10] =	ssyncadd.s32 $0xFFFFFF80  }
0x1e: {  	[tilespmem:s21], [sflag:$0x2] =	stream.indirect.gather [hbm4b:s3+s11], $0x3E8, s16, s11, $0xb8;
	[tilespmem:$0x17950] =	vst v63  }
0x1f: {  	p1 =	por p1, p0;
	s28 =	sand.u32 $0x7F, s28;
	s0 =	sand.u32 @!p0 $0xFF, s0  }
0x20: {  	[tilespmem:s5], [sflag:$0x8] =	stream.indirect.gather [hbm4b:s4+s11], $0x1, s25, s11, $0xb8;
	[tilespmem:$0x17950] =	vst v63  }
0x21: {  	s13 =	simm.s32 $0x17900;
	s28 =	smul.u32 $0x3, s28;
	s29 =	sadd.s32 @!p1 $0x4, s0  }
0x22: {  	[tilespmem:s13], [sflag:$0xB] =	stream.indirect.gather [hbm4b:s4+s11], $0x1, s12, s11, $0xb8;
	[tilespmem:$0x17950] =	vst v63  }
0x23: {  	s14 =	ssub.s32 $0x0, s28;
	_ =	swait.ge @!p1 [sflag:s29], $0x7D00  }
0x24: {  	s30 =	smul.u32 @!p0 $0x1F400, s0;
	s12 =	sshll.u32 @!p0 s0, $0x7;
	[sflag:s29] =	ssyncset.done @!p1 $0x0  }
0x25: {  	s13 =	simm.s32 @!p0 $0x0;
	[sflag:s29] =	ssyncadd.s32 @!p1 $0xFFFF8300;
	s29 =	simm.s32 @!p0 $0xD  }
0x26: {  	[tilespmem:s12], [sflag:$0xD] =	stream.linear.gather @!p0 [hbm4b:s9+s13], $0x80, $0x38;
	[tilespmem:$0x17950] =	vst v63  }
0x27: {  	s31 =	sadd.s32 @!p0 $0x1, s0;
	s30 =	sshrl.u32 @!p0 s30, $0x2;
	_ =	swait.ge @!p0 [sflag:s29], $0x80  }
0x28: {  	s1 =	sshll.u32 @!p0 s0, $0x5;
	s30 =	sadd.s32 @!p0 $0x180, s30;
	[sflag:s29] =	ssyncset.done @!p0 $0x0  }
0x29: {  	s13 =	sadd.s32 @!p0 $0x17880, s1;
	[sflag:s29] =	ssyncadd.s32 @!p0 $0xFFFFFF80;
	s29 =	simm.s32 @!p0 $0x20  }
0x2a: {  	[tilespmem:s30], [sflag:s31] =	stream.indirect.gather @!p0 [hbm4b:s3+s29], $0x3E8, s12, s29, $0xb8;
	[tilespmem:$0x17950] =	vst v63  }
0x2b: {  	s1 =	sadd.s32 @!p0 $0x178E0, s1;
	s30 =	sor.u32 @!p0 $0x20, s12;
	s31 =	sadd.s32 @!p0 $0x7, s0  }
0x2c: {  	[tilespmem:s13], [sflag:s31] =	stream.indirect.gather @!p0 [hbm4b:s4+s29], $0x1, s30, s29, $0xb8;
	[tilespmem:$0x17950] =	vst v63  }
0x2d: {  	s12 =	sor.u32 @!p0 $0x40, s12;
	s0 =	sadd.s32 @!p0 $0xA, s0;
	s13 =	sand.u32 $0xFF, s14  }
0x2e: {  	s15 =	sadd.s32 $0x1, s13;
	s17 =	smul.u32 $0x1F400, s13;
	s28 =	sshll.u32 s13, $0x7  }
0x2f: {  	[tilespmem:s1], [sflag:s0] =	stream.indirect.gather @!p0 [hbm4b:s4+s29], $0x1, s12, s29, $0xb8;
	[tilespmem:$0x17950] =	vst v63  }
0x30: {  	s19 =	sadd.s32 $0x4, s13;
	s20 =	sadd.s32 $0x7, s13;
	_ =	swait.ge [sflag:s15], $0x7D00  }
0x31: {  	s28 =	sor.u32 $0x60, s28;
	s1 =	sshrl.u32 s17, $0x2;
	[sflag:s15] =	ssyncset.done $0x0  }
0x32: {  	s18 =	rddreg [dreg:$0x2];
	s1 =	sadd.s32 $0x180, s1;
	[sflag:s15] =	ssyncadd.s32 $0xFFFF8300  }
0x33: {  	[hbm4b:s18+s11] =	stream.indirect.scatter [tilespmem:s1], [sflag:s19], $0x3E8, s28, s11, $0xb8;
	[tilespmem:$0x17950] =	vst v63  }
0x34: {  	_ =	swait.ge [sflag:s20], $0x20  }
0x35: {  	[sflag:s20] =	ssyncset.done $0x0  }
0x36: {  	s21 =	sadd.s32 $0xA, s13;
	[sflag:s20] =	ssyncadd.s32 $0xFFFFFFE0  }
0x37: {  	_ =	swait.ge [sflag:s21], $0x20  }
0x38: {  	[sflag:s21] =	ssyncset.done $0x0  }
0x39: {  	s25 =	sshll.u32 s13, $0x5;
	[sflag:s21] =	ssyncadd.s32 $0xFFFFFFE0  }
0x3a: {  	v1 =	vld [tilespmem:s25+$0x178E0]  }
0x3b: {  	v2 =	vld [tilespmem:s25+$0x17880];
	_ =	sdelay $0x1  }
0x3c: {  	v3 =	vld [tilespmem:$0x17940];
	_ =	sdelay $0x2  }
0x3d: {  	v1 =	vsub.f32 v1, v2  }
0x3e: {  	s31 =	simm.s32 $0x3;
	p0 =	por $0x0, $0x0  }
0x3f: {  	s1 =	smul.u32 @!p0 $0xAB, s31;
	v1 =	vadd.f32 v1, v3;
	_ =	sdelay $0x1  }
0x40: {  	s1 =	sshrl.u32 @!p0 s1, $0x9;
	[tilespmem:$0x17940] =	vst v1  }
0x41: {  	s30 =	simm.s32 $0x2;
	s29 =	smov.u32 s9;
	s1 =	sand.u32 @!p0 $0x7F, s1;
	v2 =	vld [tilespmem:s25+$0x178F0]  }
0x42: {  	p2 =	por @!p0 $0x0, $0x0;
	s28 =	simm.s32 $0x1;
	s0 =	smul.u32 @!p0 $0x3, s1;
	v3 =	vld [tilespmem:s25+$0x17890]  }
.LBB2_2:
0x43: {  	_ =	sdelay $0x3  }
0x44: {  	s29 =	sadd.s32 $0x10, s29;
	v2 =	vsub.f32 v2, v3  }
0x45: {  	s1 =	smov.u32 s30;
	s12 =	smul.u32 $0xAB, s28;
	s0 =	ssub.s32 @!p0 s31, s0  }
0x46: {  	p2 =	por p2, p0;
	s25 =	simm.s32 @!p0 $0x0;
	s0 =	sand.u32 @!p0 $0xFF, s0;
	v1 =	vadd.f32 v2, v1  }
0x47: {  	s5 =	simm.s32 @!p0 $0xD;
	s12 =	sshrl.u32 s12, $0x9;
	s13 =	smul.u32 @!p0 $0x1F400, s0  }
0x48: {  	s31 =	sadd.s32 @!p0 $0x1, s0;
	s14 =	sshll.u32 @!p0 s0, $0x5;
	s15 =	sadd.s32 @!p2 $0x4, s0;
	[tilespmem:$0x17940] =	vst v1  }
0x49: {  	s17 =	sshll.u32 @!p0 s0, $0x7;
	s20 =	sadd.s32 @!p0 $0x7, s0;
	_ =	swait.ge @!p2 [sflag:s15], $0x7D00  }
0x4a: {  	s0 =	sadd.s32 @!p0 $0xA, s0;
	s12 =	sand.u32 $0x7F, s12;
	[sflag:s15] =	ssyncset.done @!p2 $0x0  }
0x4b: {  	s18 =	sadd.s32 @!p0 $0x17880, s14;
	s19 =	sor.u32 @!p0 $0x20, s17;
	[sflag:s15] =	ssyncadd.s32 @!p2 $0xFFFF8300  }
0x4c: {  	[tilespmem:s17], [sflag:$0xD] =	stream.linear.gather @!p0 [hbm4b:s29+s25], $0x80, $0x38;
	[tilespmem:$0x17950] =	vst v63  }
0x4d: {  	s12 =	smul.u32 $0x3, s12;
	s13 =	sshrl.u32 @!p0 s13, $0x2;
	_ =	swait.ge @!p0 [sflag:s5], $0x80  }
0x4e: {  	s21 =	sor.u32 @!p0 $0x40, s17;
	s13 =	sadd.s32 @!p0 $0x180, s13;
	[sflag:s5] =	ssyncset.done @!p0 $0x0  }
0x4f: {  	s12 =	ssub.s32 s28, s12;
	s15 =	simm.s32 @!p0 $0x20;
	[sflag:s5] =	ssyncadd.s32 @!p0 $0xFFFFFF80  }
0x50: {  	[tilespmem:s13], [sflag:s31] =	stream.indirect.gather @!p0 [hbm4b:s3+s15], $0x3E8, s17, s15, $0xb8;
	[tilespmem:$0x17950] =	vst v63  }
0x51: {  	s14 =	sadd.s32 @!p0 $0x178E0, s14;
	s28 =	smov.u32 s1;
	s1 =	sand.u32 $0xFF, s12  }
0x52: {  	[tilespmem:s18], [sflag:s20] =	stream.indirect.gather @!p0 [hbm4b:s4+s15], $0x1, s19, s15, $0xb8;
	[tilespmem:$0x17950] =	vst v63  }
0x53: {  	s12 =	sadd.s32 $0x1, s1;
	s25 =	sshll.u32 s1, $0x7;
	s20 =	smul.u32 $0x1F400, s1  }
0x54: {  	[tilespmem:s14], [sflag:s0] =	stream.indirect.gather @!p0 [hbm4b:s4+s15], $0x1, s21, s15, $0xb8;
	[tilespmem:$0x17950] =	vst v63  }
0x55: {  	s18 =	sadd.s32 $0x4, s1;
	s19 =	sadd.s32 $0x7, s1;
	_ =	swait.ge [sflag:s12], $0x7D00  }
0x56: {  	s15 =	sshrl.u32 s20, $0x2;
	s20 =	sor.u32 $0x60, s25;
	[sflag:s12] =	ssyncset.done $0x0  }
0x57: {  	s0 =	sadd.s32 $0x180, s15;
	s17 =	rddreg [dreg:$0x2];
	[sflag:s12] =	ssyncadd.s32 $0xFFFF8300  }
0x58: {  	[hbm4b:s17+s11] =	stream.indirect.scatter [tilespmem:s0], [sflag:s18], $0x3E8, s20, s11, $0xb8;
	[tilespmem:$0x17950] =	vst v63  }
0x59: {  	_ =	swait.ge [sflag:s19], $0x20  }
0x5a: {  	[sflag:s19] =	ssyncset.done $0x0  }
0x5b: {  	s21 =	sadd.s32 $0xA, s1;
	[sflag:s19] =	ssyncadd.s32 $0xFFFFFFE0  }
0x5c: {  	_ =	swait.ge [sflag:s21], $0x20  }
0x5d: {  	[sflag:s21] =	ssyncset.done $0x0  }
0x5e: {  	s25 =	sshll.u32 s1, $0x5;
	[sflag:s21] =	ssyncadd.s32 $0xFFFFFFE0  }
0x5f: {  	v1 =	vld [tilespmem:s25+$0x178E0]  }
0x60: {  	v2 =	vld [tilespmem:s25+$0x17880];
	_ =	sdelay $0x1  }
0x61: {  	v3 =	vld [tilespmem:$0x17940];
	_ =	sdelay $0x2  }
0x62: {  	s30 =	sadd.s32 $0x1, s30;
	s31 =	sadd.s32 $0x2, s28;
	p0 =	sgt.u32 s28, $0x16;
	v1 =	vsub.f32 v1, v2  }
0x63: {  	p1 =	sne.s32 s30, $0x19;
	s1 =	smul.u32 @!p0 $0xAB, s31  }
.Ltmp0:
0x64: {  	v1 =	vadd.f32 v1, v3;
	(pc) =	sbr.rel @p1 .LBB2_2-.Ltmp0, $4  }
0x65: {  	_ = 	snop  }
0x66: {  	s1 =	sshrl.u32 @!p0 s1, $0x9;
	[tilespmem:$0x17940] =	vst v1  }
0x67: {  	s1 =	sand.u32 @!p0 $0x7F, s1;
	v2 =	vld [tilespmem:s25+$0x178F0]  }
0x68: {  	p2 =	seq.s32 @!p0 s28, $0x0;
	s0 =	smul.u32 @!p0 $0x3, s1;
	v3 =	vld [tilespmem:s25+$0x17890]  }
0x69: {  	_ =	sdelay $0x3  }
0x6a: {  	v2 =	vsub.f32 v2, v3;
	_ =	sdelay $0x1  }
0x6b: {  	s0 =	ssub.s32 @!p0 s31, s0;
	v1 =	vadd.f32 v2, v1  }
0x6c: {  	p1 =	por p2, p0;
	s0 =	sand.u32 @!p0 $0xFF, s0  }
0x6d: {  	s5 =	smul.u32 $0xAB, s28;
	s1 =	sadd.s32 @!p1 $0x4, s0;
	[tilespmem:$0x17940] =	vst v1  }
0x6e: {  	s12 =	sadd.s32 $0x10, s29;
	_ =	swait.ge @!p1 [sflag:s1], $0x7D00  }
0x6f: {  	s15 =	simm.s32 @!p0 $0x0;
	s5 =	sshrl.u32 s5, $0x9;
	[sflag:s1] =	ssyncset.done @!p1 $0x0  }
0x70: {  	s13 =	smul.u32 @!p0 $0x1F400, s0;
	s14 =	sshll.u32 @!p0 s0, $0x7;
	[sflag:s1] =	ssyncadd.s32 @!p1 $0xFFFF8300  }
0x71: {  	[tilespmem:s14], [sflag:$0xD] =	stream.linear.gather @!p0 [hbm4b:s12+s15], $0x80, $0x38;
	[tilespmem:$0x17950] =	vst v63  }
0x72: {  	s5 =	sand.u32 $0x7F, s5;
	s15 =	simm.s32 @!p0 $0xD  }
0x73: {  	s5 =	smul.u32 $0x3, s5;
	s13 =	sshrl.u32 @!p0 s13, $0x2;
	_ =	swait.ge @!p0 [sflag:s15], $0x80  }
0x74: {  	s13 =	sadd.s32 @!p0 $0x180, s13;
	s1 =	sadd.s32 @!p0 $0x1, s0;
	[sflag:s15] =	ssyncset.done @!p0 $0x0  }
0x75: {  	s12 =	sshll.u32 @!p0 s0, $0x5;
	[sflag:s15] =	ssyncadd.s32 @!p0 $0xFFFFFF80;
	s15 =	simm.s32 @!p0 $0x20  }
0x76: {  	[tilespmem:s13], [sflag:s1] =	stream.indirect.gather @!p0 [hbm4b:s3+s15], $0x3E8, s14, s15, $0xb8;
	[tilespmem:$0x17950] =	vst v63  }
0x77: {  	s17 =	sadd.s32 @!p0 $0x17880, s12;
	s1 =	sor.u32 @!p0 $0x20, s14;
	s13 =	sadd.s32 @!p0 $0x7, s0  }
0x78: {  	[tilespmem:s17], [sflag:s13] =	stream.indirect.gather @!p0 [hbm4b:s4+s15], $0x1, s1, s15, $0xb8;
	[tilespmem:$0x17950] =	vst v63  }
0x79: {  	s12 =	sadd.s32 @!p0 $0x178E0, s12;
	s17 =	ssub.s32 s28, s5  }
0x7a: {  	s0 =	sadd.s32 @!p0 $0xA, s0;
	s5 =	sor.u32 @!p0 $0x40, s14;
	s1 =	sand.u32 $0xFF, s17  }
0x7b: {  	[tilespmem:s12], [sflag:s0] =	stream.indirect.gather @!p0 [hbm4b:s4+s15], $0x1, s5, s15, $0xb8;
	[tilespmem:$0x17950] =	vst v63  }
0x7c: {  	s18 =	sadd.s32 $0x1, s1;
	s19 =	smul.u32 $0x1F400, s1;
	s21 =	sshll.u32 s1, $0x7  }
0x7d: {  	s25 =	sadd.s32 $0x4, s1;
	s28 =	sadd.s32 $0x7, s1;
	_ =	swait.ge [sflag:s18], $0x7D00  }
0x7e: {  	s13 =	sor.u32 $0x60, s21;
	[sflag:s18] =	ssyncset.done $0x0;
	s5 =	sshrl.u32 s19, $0x2  }
0x7f: {  	s20 =	rddreg [dreg:$0x2];
	[sflag:s18] =	ssyncadd.s32 $0xFFFF8300;
	s5 =	sadd.s32 $0x180, s5  }
0x80: {  	[hbm4b:s20+s11] =	stream.indirect.scatter [tilespmem:s5], [sflag:s25], $0x3E8, s13, s11, $0xb8;
	[tilespmem:$0x17950] =	vst v63  }
0x81: {  	_ =	swait.ge [sflag:s28], $0x20  }
0x82: {  	[sflag:s28] =	ssyncset.done $0x0  }
0x83: {  	s29 =	sadd.s32 $0xA, s1;
	[sflag:s28] =	ssyncadd.s32 $0xFFFFFFE0  }
0x84: {  	_ =	swait.ge [sflag:s29], $0x20  }
0x85: {  	[sflag:s29] =	ssyncset.done $0x0  }
0x86: {  	s30 =	sshll.u32 s1, $0x5;
	[sflag:s29] =	ssyncadd.s32 $0xFFFFFFE0  }
0x87: {  	v1 =	vld [tilespmem:s30+$0x178E0]  }
0x88: {  	v2 =	vld [tilespmem:s30+$0x17880];
	_ =	sdelay $0x1  }
0x89: {  	v3 =	vld [tilespmem:$0x17940];
	_ =	sdelay $0x2  }
0x8a: {  	v1 =	vsub.f32 v1, v2;
	_ =	sdelay $0x1  }
0x8b: {  	v1 =	vadd.f32 v1, v3;
	_ =	sdelay $0x1  }
0x8c: {  	[tilespmem:$0x17940] =	vst v1  }
0x8d: {  	v2 =	vld [tilespmem:s30+$0x178F0]  }
0x8e: {  	v3 =	vld [tilespmem:s30+$0x17890];
	_ =	sdelay $0x4  }
0x8f: {  	v2 =	vsub.f32 v2, v3;
	_ =	sdelay $0x1  }
0x90: {  	v1 =	vadd.f32 v2, v1;
	_ =	sdelay $0x1  }
0x91: {  	[tilespmem:$0x17940] =	vst v1  }
0x92: {  	_ =	swait.ge [sflag:s22], $0x7D00  }
0x93: {  	[sflag:s22] =	ssyncset.done $0x0  }
0x94: {  	[sflag:s22] =	ssyncadd.s32 $0xFFFF8300  }
0x95: {  	_ =	swait.ge [sflag:s23], $0x7D00  }
0x96: {  	[sflag:s23] =	ssyncset.done $0x0  }
0x97: {  	[sflag:s23] =	ssyncadd.s32 $0xFFFF8300  }
0x98: {  	s26 =	sadd.s32 $0x1, s26;
	_ =	swait.ge [sflag:s24], $0x7D00  }
0x99: {  	p0 =	sne.s32 s26, s8;
	[sflag:s24] =	ssyncset.done $0x0  }
.Ltmp1:
0x9a: {  	s31 =	simm.s32 $0x17940;
	[sflag:s24] =	ssyncadd.s32 $0xFFFF8300;
	(pc) =	sbr.rel @p0 .LBB2_1-.Ltmp1, $4  }
0x9b: {  	[hbm4b:s7+s2] =	stream.linear.scatter [tilespmem:s31], [sflag:$0xD], $0x10, $0x38;
	[tilespmem:$0x17950] =	vst v63  }
0x9c: {  	_ =	swait.ge [sflag:s10], $0x10  }
0x9d: {  	[sflag:s10] =	ssyncset.done $0x0  }
0x9e: {  	[sflag:s10] =	ssyncadd.s32 $0xFFFFFFF0  }
0x9f: {  	_ =	sfence.sel $0x180000  }
0xa0: {  	[bflag:$0x0] =	sbarrier.arrive $0xFFFF  }
0xa1: {  	_ =	strace $0x9000004A  }
0xa2: {  	s0 =	stileid.u32;
	[bflag:$0x2] =	sbarrier.arrive $0xFFFF  }
0xa3: {  	p0 =	sne.s32 s0, $0x0;
	s0 =	rddreg [dreg:$0x1]  }
0xa4: {  	s0 =	sadd.s32 @!p0 $0x100000, s0  }
0xa5: {  	[sflag:s0] =	ssyncadd.tile.s32 @!p0 $0x1;
	_ =	shalt  }
.Lfunc_end2:
_tile_overlayer_lowered:
.L_overlay_start_2:
0xa6: {  	(tag) =	ssettag $0x2  }
0xa7: {  	s0 =	rddreg [dreg:$0x0];
	s2 =	stileid.u32  }
0xa8: {  	s1 =	rddreg [dreg:$0x1];
	p0 =	sne.s32 s2, $0x0  }
0xa9: {  	s3 =	rddreg [dreg:$0x2];
	[bflag:$0x3] =	sbarrier.arrive $0xFFFF;
	s2 =	simm.s32 @!p0 $0x1C0D  }
0xaa: {  	[timem:s3], [sflag:s2] =	dma.local @!p0 [hbm:s0], s1  }
0xab: {  	s0 =	simm.s32 @!p0 $0xD  }
0xac: {  	_ =	swait.ge @!p0 [sflag:s0], s1  }
0xad: {  	s1 =	ssub.s32 @!p0 $0x0, s1;
	[sflag:s0] =	ssyncset.done @!p0 $0x0  }
0xae: {  	[sflag:s0] =	ssyncadd.s32 @!p0 s1  }
0xaf: {  	[bflag:$0x3] =	sbarrier.arrive $0xFFFF  }
0xb0: {  	_ =	shalt  }

// kernel: kernel.8.cloned.1.call-start
scs
__scs_entry_jumppad:
0x0: {  	(pc) =	sbr.rel $0x88, $3  }
0x1: {  	(tag) =	ssettag $0x0;
	lr =	simm.s32 $0x1  }
0x2: {  	[smem:$0x3F9E] =	sst lr;
	_ =	strace $0xD0000000  }
0x3: {  	_ = 	snop  }
0x4: {  	_ = 	snop  }
0x5: {  	_ = 	snop  }
0x6: {  	_ = 	snop  }
0x7: {  	_ = 	snop  }
__scs_overlays_trampoline_lowered:
0x8: {  	[smem:$0x3FAD] =	sst s0  }
0x9: {  	[smem:$0x3FAE] =	sst s1  }
0xa: {  	[smem:$0x3FAF] =	sst s2  }
0xb: {  	[smem:$0x3FB0] =	sst s3  }
0xc: {  	[smem:$0x3FB1] =	sst s4  }
0xd: {  	[smem:$0x3FB2] =	sst s5  }
0xe: {  	[smem:$0x3FB3] =	sst s6  }
0xf: {  	[smem:$0x3FB4] =	sst s7  }
0x10: {  	[smem:$0x3FB5] =	sst s8  }
0x11: {  	[smem:$0x3FB6] =	sst s9;
	s0 =	simm.s32 @!p0 $0x0  }
0x12: {  	s1 =	sld [smem:$0x3F9C];
	s0 =	simm.s32 @p0 $0x1  }
0x13: {  	[smem:$0x3FB7] =	sst s0;
	s0 =	simm.s32 @!p1 $0x0  }
0x14: {  	s2 =	sld [smem:$0x3F9B];
	s0 =	simm.s32 @p1 $0x1  }
0x15: {  	[smem:$0x3FB8] =	sst s0;
	s0 =	simm.s32 @!p2 $0x0  }
0x16: {  	s3 =	sld [smem:$0x3FDB];
	s0 =	simm.s32 @p2 $0x1  }
0x17: {  	s4 =	simm.s32 $0x1BF5;
	[smem:$0x3FBA] =	sst s0  }
0x18: {  	s0 =	sld [smem:$0x3F9D];
	_ =	swait.ge [sflag:s4], $0x0  }
0x19: {  	s7 =	sld [smem:$0x3F9E]  }
0x1a: {  	s8 =	sadd.s32 $0xFFFFE003, lr  }
0x1b: {  	s9 =	sadd.s32 $0xFFFFFEF7, lr;
	s5 =	simm.s32 $0xFFFFFFFF;
	p2 =	slt.u32 s8, $0xFFFFF086  }
0x1c: {  	p1 =	slt.u32 s9, $0xF7A;
	s5 =	simm.s32 @!p2 $0x0  }
0x1d: {  	s5 =	simm.s32 @p1 $0x1;
	p0 =	seq.s32 s7, s2  }
0x1e: {  	s7 =	smul.u32 @!p0 $0xF7A, s2;
	p2 =	seq.s32 @!p0 s5, $0x0  }
0x1f: {  	s9 =	smul.u32 $0xF7A, s1;
	s8 =	simm.s32 @!p0 $0x1BF5;
	p2 =	por !p2, p0  }
0x20: {  	[sflag:s8] =	ssyncset.s32 @!p0 $0xFFFFF086;
	s6 =	sadd.s32 @!p0 s3, s7;
	s7 =	simm.s32 @!p0 $0x108  }
0x21: {  	s3 =	sadd.s32 s3, s9;
	s6 =	sadd.s32 @!p0 $0x88, s6;
	s7 =	simm.s32 @p2 $0x1082  }
0x22: {  	[simem:s7], [sflag:s8] =	dma.local @!p0 [hbm:s6], $0xF7A  }
0x23: {  	s9 =	sor.u32 $0xD0000000, s2;
	s6 =	simm.s32 $0x108;
	_ =	swait.ge @!p0 [sflag:s8], $0x0  }
0x24: {  	s3 =	sadd.s32 $0x88, s3;
	s6 =	simm.s32 @!p1 $0x1082;
	[sflag:s4] =	ssyncset.s32 $0xFFFFF086  }
0x25: {  	[simem:s6], [sflag:s4] =	dma.local [hbm:s3], $0xF7A  }
0x26: {  	[smem:$0x3F9E] =	sst s1;
	(tag) =	ssettag s2;
	_ =	strace s9  }
0x27: {  	s1 =	sld [smem:$0x3FAE]  }
0x28: {  	s2 =	sld [smem:$0x3FAF]  }
0x29: {  	s4 =	sld [smem:$0x3FB1]  }
0x2a: {  	p0 =	seq.s32 s5, $0x0;
	s5 =	sld [smem:$0x3FB2]  }
0x2b: {  	s6 =	sld [smem:$0x3FB3]  }
0x2c: {  	s7 =	sld [smem:$0x3FB4]  }
0x2d: {  	s3 =	simm.s32 $0x108;
	s8 =	sld [smem:$0x3FB5]  }
0x2e: {  	s3 =	simm.s32 @!p0 $0x1082;
	s9 =	sld [smem:$0x3FB6]  }
0x2f: {  	lr =	sadd.s32 s0, s3;
	s0 =	sld [smem:$0x3FAD]  }
0x30: {  	s3 =	sld [smem:$0x3FB0]  }
0x31: {  	[smem:$0x3FB9] =	sst s10  }
0x32: {  	s10 =	sld [smem:$0x3FB7];
	_ =	sdelay $0x3  }
0x33: {  	p0 =	seq.s32 s10, $0x1;
	s10 =	sld [smem:$0x3FB9];
	_ =	sdelay $0x3  }
0x34: {  	[smem:$0x3FB9] =	sst s10  }
0x35: {  	s10 =	sld [smem:$0x3FB8];
	_ =	sdelay $0x3  }
0x36: {  	p1 =	seq.s32 s10, $0x1;
	s10 =	sld [smem:$0x3FB9];
	_ =	sdelay $0x3  }
0x37: {  	[smem:$0x3FB9] =	sst s10  }
0x38: {  	s10 =	sld [smem:$0x3FBA]  }
0x39: {  	_ = 	snop;
	(pc) =	sbr.ind lr, $3  }
0x3a: {  	_ = 	snop  }
0x3b: {  	_ = 	snop  }
0x3c: {  	p2 =	seq.s32 s10, $0x1;
	s10 =	sld [smem:$0x3FB9]  }
0x3d: {  	_ =	shalt  }
0x3e: {  	_ =	shalt  }
0x3f: {  	_ =	shalt  }
0x40: {  	_ =	shalt  }
0x41: {  	_ =	shalt  }
0x42: {  	_ =	shalt  }
0x43: {  	_ =	shalt  }
0x44: {  	_ =	shalt  }
0x45: {  	_ =	shalt  }
0x46: {  	_ =	shalt  }
0x47: {  	_ =	shalt  }
0x48: {  	_ =	shalt  }
0x49: {  	_ =	shalt  }
0x4a: {  	_ =	shalt  }
0x4b: {  	_ =	shalt  }
0x4c: {  	_ =	shalt  }
0x4d: {  	_ =	shalt  }
0x4e: {  	_ =	shalt  }
0x4f: {  	_ =	shalt  }
0x50: {  	_ =	shalt  }
0x51: {  	_ =	shalt  }
0x52: {  	_ =	shalt  }
0x53: {  	_ =	shalt  }
0x54: {  	_ =	shalt  }
0x55: {  	_ =	shalt  }
0x56: {  	_ =	shalt  }
0x57: {  	_ =	shalt  }
0x58: {  	_ =	shalt  }
0x59: {  	_ =	shalt  }
0x5a: {  	_ =	shalt  }
0x5b: {  	_ =	shalt  }
0x5c: {  	_ =	shalt  }
0x5d: {  	_ =	shalt  }
0x5e: {  	_ =	shalt  }
0x5f: {  	_ =	shalt  }
0x60: {  	_ =	shalt  }
0x61: {  	_ =	shalt  }
0x62: {  	_ =	shalt  }
0x63: {  	_ =	shalt  }
0x64: {  	_ =	shalt  }
0x65: {  	_ =	shalt  }
0x66: {  	_ =	shalt  }
0x67: {  	_ =	shalt  }
0x68: {  	_ =	shalt  }
0x69: {  	_ =	shalt  }
0x6a: {  	_ =	shalt  }
0x6b: {  	_ =	shalt  }
0x6c: {  	_ =	shalt  }
0x6d: {  	_ =	shalt  }
0x6e: {  	_ =	shalt  }
0x6f: {  	_ =	shalt  }
0x70: {  	_ =	shalt  }
0x71: {  	_ =	shalt  }
0x72: {  	_ =	shalt  }
0x73: {  	_ =	shalt  }
0x74: {  	_ =	shalt  }
0x75: {  	_ =	shalt  }
0x76: {  	_ =	shalt  }
0x77: {  	_ =	shalt  }
0x78: {  	_ =	shalt  }
0x79: {  	_ =	shalt  }
0x7a: {  	_ =	shalt  }
0x7b: {  	_ =	shalt  }
0x7c: {  	_ =	shalt  }
0x7d: {  	_ =	shalt  }
0x7e: {  	_ =	shalt  }
0x7f: {  	_ =	shalt  }
0x80: {  	_ =	shalt  }
0x81: {  	_ =	shalt  }
0x82: {  	_ =	shalt  }
0x83: {  	_ =	shalt  }
0x84: {  	_ =	shalt  }
0x85: {  	_ =	shalt  }
0x86: {  	_ =	shalt  }
0x87: {  	_ =	shalt  }
.Lfunc_end0:
.L_simem_size_0:
called_computation_lowered:
.L_overlay_start_0:
0x88: {  	s2 =	sld [smem:$0x3FD9]  }
0x89: {  	s3 =	sld [smem:$0x3FFE];
	_ =	sdelay $0x1  }
0x8a: {  	s1 =	srdreg.scid  }
0x8b: {  	s0 =	sand.u32 $0x1, s1  }
0x8c: {  	s14 =	sshll.u32 s0, $0xA;
	s2 =	sadd.s32 s3, s2  }
0x8d: {  	s2 =	sadd.s32 s2, s14  }
0x8e: {  	[smem:$0x3FC5] =	sst s2  }
0x8f: {  	_ = 	snop  }
0x90: {  	s2 =	sld [smem:$0x3FD0];
	_ =	sdelay $0x2  }
0x91: {  	s15 =	simm.s32 $0xB;
	s4 =	simm.s32 $0x10  }
0x92: {  	[smem:s4], [sflag:s15] =	dma.local [hbm:s2], $0x1  }
0x93: {  	_ =	swait.eq [sflag:s15], $0x1  }
0x94: {  	[sflag:s15] =	ssyncset.done $0x0  }
0x95: {  	[sflag:s15] =	ssyncadd.s32 $0xFFFFFFFF  }
0x96: {  	s16 =	sld [smem:$0x10];
	(tm) =	ssettm $0x1  }
0x97: {  	s17 =	sld [smem:$0x3FFB];
	_ =	sdelay $0x3  }
0x98: {  	_ =	strace s17  }
0x99: {  	s3 =	sld [smem:$0x3FFC];
	_ =	sdelay $0x3  }
0x9a: {  	_ =	strace s3  }
0x9b: {  	s3 =	sld [smem:$0x3FFD];
	_ =	sdelay $0x3  }
0x9c: {  	_ =	strace s3  }
0x9d: {  	_ =	strace $0x8FFFFFFF  }
0x9e: {  	s18 =	sld [smem:$0x3FDB];
	_ =	sdelay $0x1  }
0x9f: {  	s19 =	simm.s32 $_scs_section_size  }
0xa0: {  	s5 =	simm.s32 $_size__tile_overlayer_lowered;
	s6 =	simm.s32 $_tile_overlayer_lowered  }
0xa1: {  	s22 =	simm.s32 $0x1BFF;
	s21 =	sshll.u32 s6, $0x1;
	s3 =	sadd.s32 s19, s18  }
0xa2: {  	s7 =	simm.s32 $0x0;
	s20 =	sshll.u32 s5, $0x1;
	s5 =	sadd.s32 s21, s3  }
0xa3: {  	[timem:s7], [sflag:s22] =	dma.local [hbm:s5], s20  }
0xa4: {  	_ =	swait.ge [sflag:s22], s20  }
0xa5: {  	s4 =	ssub.s32 $0x0, s20;
	[sflag:s22] =	ssyncset.done $0x0  }
0xa6: {  	[sflag:s22] =	ssyncadd.s32 s4;
	_ =	sdelay $0x1  }
0xa7: {  	s23 =	simm.s32 $0x1B8B  }
0xa8: {  	_ =	swait.ge [sflag:s23], $0x1  }
0xa9: {  	[sflag:s23] =	ssyncset.done $0x0  }
0xaa: {  	s25 =	simm.s32 $0x1B8E;
	s24 =	sld [smem:$0x3FFE];
	[sflag:s23] =	ssyncadd.s32 $0xFFFFFFFF  }
0xab: {  	s26 =	simm.s32 $execute0_lowered;
	[smem:$0x3FD2] =	sst s25  }
0xac: {  	s5 =	sshll.u32 s26, $0x1;
	_ =	strace $0x80000046;
	[dreg:$0x1] =	wrdreg $0xFFFFFFFF  }
0xad: {  	s28 =	simm.s32 $_size_execute0_lowered;
	s3 =	sadd.s32 s3, s5;
	[dreg:$0x0] =	wrdreg $0x0  }
0xae: {  	s5 =	sshll.u32 s28, $0x1;
	[dreg:$0x2] =	wrdreg s3  }
0xaf: {  	[dreg:$0x3] =	wrdreg s5  }
0xb0: {  	[dreg:$0x4] =	wrdreg $0xC0  }
0xb1: {  	_ =	task [dreg:s7], $0x5FFFF  }
0xb2: {  	[dreg:$0x1] =	wrdreg $0xFFFFFFFF  }
0xb3: {  	[dreg:$0x0] =	wrdreg $0x60  }
0xb4: {  	[dreg:$0x2] =	wrdreg s24  }
0xb5: {  	[dreg:$0x3] =	wrdreg s16  }
0xb6: {  	[dreg:$0x4] =	wrdreg $0x9  }
0xb7: {  	_ =	task.clear_ibuf [dreg:s7], $0x5FFFF;
	_ =	strace $0x90000046  }
0xb8: {  	s29 =	simm.s32 $0x9;
	_ =	strace $0x80000048  }
0xb9: {  	_ =	swait.ge [sflag:s29], $0x1  }
0xba: {  	[sflag:s29] =	ssyncadd.s32 $0xFFFFFFFF  }
0xbb: {  	_ =	strace $0x90000048  }
0xbc: {  	_ =	sfence  }
0xbd: {  	s30 =	sld [smem:$0x0];
	_ =	sdelay $0x2  }
0xbe: {  	s31 =	sshll.u32 s1, $0xD;
	s1 =	sshrl.u32 s1, $0x2  }
0xbf: {  	s3 =	sand.u32 $0x4000, s31;
	s1 =	sadd.s32 s1, s30  }
0xc0: {  	s0 =	sor.u32 s3, s0;
	s1 =	sshll.u32 s1, $0x11  }
0xc1: {  	s0 =	sor.u32 s1, s0  }
0xc2: {  	s0 =	sadd.s32 $0x8F2B, s0  }
0xc3: {  	[sflag:s0] =	ssyncadd.remote.s32 $0x1  }
0xc4: {  	_ =	sfence.sel $0xFFFF  }
0xc5: {  	[dreg:$0x0] =	wrdreg $0xFFFFFFFF;
	(pc) =	sbr.abs _section_cstart, $3  }
0xc6: {  	[dreg:$0x1] =	wrdreg $0xFFFFFFFF  }
0xc7: {  	_ =	task.clear_ibuf [dreg:s7], $0x2FFFF;
	_ =	strace $0x9FFFFFFF  }
0xc8: {  	(tm) =	ssettm $0x7FFFFFFF  }
0xc9: {  	_ =	shalt  }
tec
execute0_lowered:
.L_overlay_start_1:
0x0: {  	(tag) =	ssettag $0x1  }
0x1: {  	s0 =	rddreg [dreg:$0x0]  }
0x2: {  	s1 =	rddreg [dreg:$0x1]  }
0x3: {  	s2 =	simm.s32 $0x0;
	s3 =	srdreg.scid;
	s26 =	stileid.u32  }
0x4: {  	s16 =	simm.s32 $0x80;
	s22 =	simm.s32 $0x4;
	[dreg:$0x3] =	wrdreg s1  }
0x5: {  	s23 =	simm.s32 $0x5;
	s24 =	simm.s32 $0x6;
	[smem:$0x7FF] =	sst s2  }
0x6: {  	s5 =	sand.u32 $0x1, s3;
	s28 =	sshll.u32 s26, $0x1;
	s3 =	sadd.s32 $0x1800, s0  }
0x7: {  	s4 =	sadd.s32 $0x23400, s0;
	s9 =	sadd.s32 $0x20200, s0;
	s10 =	smul.u32 $0x32, s26  }
0x8: {  	s6 =	sor.u32 s5, s28;
	s29 =	ssub.s32 $0x2, s5;
	s5 =	smul.u32 $0x19, s5  }
0x9: {  	s26 =	simm.s32 $0x0;
	_ =	strace $0x80000047;
	s7 =	smul.u32 $0xC80, s6  }
0xa: {  	s8 =	sshll.u32 s6, $0x1;
	s11 =	sshrl.u32 s29, $0x1;
	s6 =	smul.u32 $0x190, s6  }
0xb: {  	s0 =	sadd.s32 s8, s0;
	s8 =	ssub.s32 s29, s11;
	s10 =	sadd.s32 s5, s10  }
0xc: {  	s11 =	simm.s32 $0x20;
	s7 =	sshrl.u32 s7, $0x3;
	s30 =	sadd.s32 s9, s6  }
0xd: {  	s10 =	sshll.u32 s10, $0x4;
	s8 =	smax.u32 s8, $0x1;
	s7 =	sadd.s32 s9, s7  }
0xe: {  	[dreg:$0x4] =	wrdreg s30;
	s31 =	sadd.s32 s9, s10;
	s10 =	simm.s32 $0xD  }
0xf: {  	v0 =	vimm.f32 $0.0e+00;
	s6 =	sadd.s32 $0x10, s7;
	s7 =	sadd.s32 $0x41E00, s0;
	s9 =	sadd.s32 $0x20, s31  }
.LBB2_1:
0x10: {  	[tilespmem:$0x17940] =	vst v0;
	s0 =	rddreg [dreg:$0x4]  }
0x11: {  	[tilespmem:s2], [sflag:$0xD] =	stream.linear.gather [hbm4b:s0+s2], $0x80, $0x38;
	[tilespmem:$0x17950] =	vst v63  }
0x12: {  	_ =	swait.ge [sflag:s10], $0x80  }
0x13: {  	s18 =	simm.s32 $0x180;
	[sflag:s10] =	ssyncset.done $0x0  }
0x14: {  	p0 =	por $0x0, $0x0;
	s0 =	simm.s32 $0x2;
	[sflag:s10] =	ssyncadd.s32 $0xFFFFFF80  }
0x15: {  	[tilespmem:s18], [sflag:$0x1] =	stream.indirect.gather [hbm4b:s3+s11], $0x3E8, s2, s11, $0xb8;
	[tilespmem:$0x17950] =	vst v63  }
0x16: {  	s19 =	simm.s32 $0x17880;
	s20 =	simm.s32 $0x40;
	s0 =	smul.u32 @!p0 $0xAB, s0  }
0x17: {  	[tilespmem:s19], [sflag:$0x7] =	stream.indirect.gather [hbm4b:s4+s11], $0x1, s11, s11, $0xb8;
	[tilespmem:$0x17950] =	vst v63  }
0x18: {  	s1 =	simm.s32 $0x178E0;
	s21 =	simm.s32 $0x7E80;
	s0 =	sshrl.u32 @!p0 s0, $0x9  }
0x19: {  	[tilespmem:s1], [sflag:$0xA] =	stream.indirect.gather [hbm4b:s4+s11], $0x1, s20, s11, $0xb8;
	[tilespmem:$0x17950] =	vst v63  }
0x1a: {  	s25 =	simm.s32 $0xA0;
	s28 =	smul.u32 $0xAB, s2;
	s0 =	sand.u32 @!p0 $0x7F, s0  }
0x1b: {  	[tilespmem:s16], [sflag:$0xD] =	stream.linear.gather [hbm4b:s6+s2], $0x80, $0x38;
	[tilespmem:$0x17950] =	vst v63  }
0x1c: {  	s5 =	simm.s32 $0x178A0;
	s0 =	smul.u32 @!p0 $0x3, s0;
	_ =	swait.ge [sflag:s10], $0x80  }
0x1d: {  	s12 =	simm.s32 $0xC0;
	p1 =	por @!p0 $0x1, $0x1;
	[sflag:s10] =	ssyncset.done $0x0  }
0x1e: {  	s28 =	sshrl.u32 s28, $0x9;
	s0 =	ssub.s32 @!p0 $0x2, s0;
	[sflag:s10] =	ssyncadd.s32 $0xFFFFFF80  }
0x1f: {  	[tilespmem:s21], [sflag:$0x2] =	stream.indirect.gather [hbm4b:s3+s11], $0x3E8, s16, s11, $0xb8;
	[tilespmem:$0x17950] =	vst v63  }
0x20: {  	p1 =	por p1, p0;
	s28 =	sand.u32 $0x7F, s28;
	s0 =	sand.u32 @!p0 $0xFF, s0  }
0x21: {  	[tilespmem:s5], [sflag:$0x8] =	stream.indirect.gather [hbm4b:s4+s11], $0x1, s25, s11, $0xb8;
	[tilespmem:$0x17950] =	vst v63  }
0x22: {  	s13 =	simm.s32 $0x17900;
	s28 =	smul.u32 $0x3, s28;
	s29 =	sadd.s32 @!p1 $0x4, s0  }
0x23: {  	[tilespmem:s13], [sflag:$0xB] =	stream.indirect.gather [hbm4b:s4+s11], $0x1, s12, s11, $0xb8;
	[tilespmem:$0x17950] =	vst v63  }
0x24: {  	s14 =	ssub.s32 $0x0, s28;
	_ =	swait.ge @!p1 [sflag:s29], $0x7D00  }
0x25: {  	s30 =	smul.u32 @!p0 $0x1F400, s0;
	s12 =	sshll.u32 @!p0 s0, $0x7;
	[sflag:s29] =	ssyncset.done @!p1 $0x0  }
0x26: {  	s13 =	simm.s32 @!p0 $0x0;
	[sflag:s29] =	ssyncadd.s32 @!p1 $0xFFFF8300;
	s29 =	simm.s32 @!p0 $0xD  }
0x27: {  	[tilespmem:s12], [sflag:$0xD] =	stream.linear.gather @!p0 [hbm4b:s9+s13], $0x80, $0x38;
	[tilespmem:$0x17950] =	vst v63  }
0x28: {  	s31 =	sadd.s32 @!p0 $0x1, s0;
	s30 =	sshrl.u32 @!p0 s30, $0x2;
	_ =	swait.ge @!p0 [sflag:s29], $0x80  }
0x29: {  	s1 =	sshll.u32 @!p0 s0, $0x5;
	s30 =	sadd.s32 @!p0 $0x180, s30;
	[sflag:s29] =	ssyncset.done @!p0 $0x0  }
0x2a: {  	s13 =	sadd.s32 @!p0 $0x17880, s1;
	[sflag:s29] =	ssyncadd.s32 @!p0 $0xFFFFFF80;
	s29 =	simm.s32 @!p0 $0x20  }
0x2b: {  	[tilespmem:s30], [sflag:s31] =	stream.indirect.gather @!p0 [hbm4b:s3+s29], $0x3E8, s12, s29, $0xb8;
	[tilespmem:$0x17950] =	vst v63  }
0x2c: {  	s1 =	sadd.s32 @!p0 $0x178E0, s1;
	s30 =	sor.u32 @!p0 $0x20, s12;
	s31 =	sadd.s32 @!p0 $0x7, s0  }
0x2d: {  	[tilespmem:s13], [sflag:s31] =	stream.indirect.gather @!p0 [hbm4b:s4+s29], $0x1, s30, s29, $0xb8;
	[tilespmem:$0x17950] =	vst v63  }
0x2e: {  	s12 =	sor.u32 @!p0 $0x40, s12;
	s0 =	sadd.s32 @!p0 $0xA, s0;
	s13 =	sand.u32 $0xFF, s14  }
0x2f: {  	s15 =	sadd.s32 $0x1, s13;
	s17 =	smul.u32 $0x1F400, s13;
	s28 =	sshll.u32 s13, $0x7  }
0x30: {  	[tilespmem:s1], [sflag:s0] =	stream.indirect.gather @!p0 [hbm4b:s4+s29], $0x1, s12, s29, $0xb8;
	[tilespmem:$0x17950] =	vst v63  }
0x31: {  	s19 =	sadd.s32 $0x4, s13;
	s20 =	sadd.s32 $0x7, s13;
	_ =	swait.ge [sflag:s15], $0x7D00  }
0x32: {  	s28 =	sor.u32 $0x60, s28;
	s1 =	sshrl.u32 s17, $0x2;
	[sflag:s15] =	ssyncset.done $0x0  }
0x33: {  	s18 =	rddreg [dreg:$0x3];
	s1 =	sadd.s32 $0x180, s1;
	[sflag:s15] =	ssyncadd.s32 $0xFFFF8300  }
0x34: {  	[hbm4b:s18+s11] =	stream.indirect.scatter [tilespmem:s1], [sflag:s19], $0x3E8, s28, s11, $0xb8;
	[tilespmem:$0x17950] =	vst v63  }
0x35: {  	_ =	swait.ge [sflag:s20], $0x20  }
0x36: {  	[sflag:s20] =	ssyncset.done $0x0  }
0x37: {  	s21 =	sadd.s32 $0xA, s13;
	[sflag:s20] =	ssyncadd.s32 $0xFFFFFFE0  }
0x38: {  	_ =	swait.ge [sflag:s21], $0x20  }
0x39: {  	[sflag:s21] =	ssyncset.done $0x0  }
0x3a: {  	s25 =	sshll.u32 s13, $0x5;
	[sflag:s21] =	ssyncadd.s32 $0xFFFFFFE0  }
0x3b: {  	v1 =	vld [tilespmem:s25+$0x178E0]  }
0x3c: {  	v2 =	vld [tilespmem:s25+$0x17880];
	_ =	sdelay $0x1  }
0x3d: {  	v3 =	vld [tilespmem:$0x17940];
	_ =	sdelay $0x2  }
0x3e: {  	v1 =	vsub.f32 v1, v2  }
0x3f: {  	s31 =	simm.s32 $0x3;
	p0 =	por $0x0, $0x0  }
0x40: {  	s1 =	smul.u32 @!p0 $0xAB, s31;
	v1 =	vadd.f32 v1, v3;
	_ =	sdelay $0x1  }
0x41: {  	s1 =	sshrl.u32 @!p0 s1, $0x9;
	[tilespmem:$0x17940] =	vst v1  }
0x42: {  	s30 =	simm.s32 $0x2;
	s29 =	smov.u32 s9;
	s1 =	sand.u32 @!p0 $0x7F, s1;
	v2 =	vld [tilespmem:s25+$0x178F0]  }
0x43: {  	p2 =	por @!p0 $0x0, $0x0;
	s28 =	simm.s32 $0x1;
	s0 =	smul.u32 @!p0 $0x3, s1;
	v3 =	vld [tilespmem:s25+$0x17890]  }
.LBB2_2:
0x44: {  	_ =	sdelay $0x3  }
0x45: {  	s29 =	sadd.s32 $0x10, s29;
	v2 =	vsub.f32 v2, v3  }
0x46: {  	s1 =	smov.u32 s30;
	s12 =	smul.u32 $0xAB, s28;
	s0 =	ssub.s32 @!p0 s31, s0  }
0x47: {  	p2 =	por p2, p0;
	s25 =	simm.s32 @!p0 $0x0;
	s0 =	sand.u32 @!p0 $0xFF, s0;
	v1 =	vadd.f32 v2, v1  }
0x48: {  	s5 =	simm.s32 @!p0 $0xD;
	s12 =	sshrl.u32 s12, $0x9;
	s13 =	smul.u32 @!p0 $0x1F400, s0  }
0x49: {  	s31 =	sadd.s32 @!p0 $0x1, s0;
	s14 =	sshll.u32 @!p0 s0, $0x5;
	s15 =	sadd.s32 @!p2 $0x4, s0;
	[tilespmem:$0x17940] =	vst v1  }
0x4a: {  	s17 =	sshll.u32 @!p0 s0, $0x7;
	s20 =	sadd.s32 @!p0 $0x7, s0;
	_ =	swait.ge @!p2 [sflag:s15], $0x7D00  }
0x4b: {  	s0 =	sadd.s32 @!p0 $0xA, s0;
	s12 =	sand.u32 $0x7F, s12;
	[sflag:s15] =	ssyncset.done @!p2 $0x0  }
0x4c: {  	s18 =	sadd.s32 @!p0 $0x17880, s14;
	s19 =	sor.u32 @!p0 $0x20, s17;
	[sflag:s15] =	ssyncadd.s32 @!p2 $0xFFFF8300  }
0x4d: {  	[tilespmem:s17], [sflag:$0xD] =	stream.linear.gather @!p0 [hbm4b:s29+s25], $0x80, $0x38;
	[tilespmem:$0x17950] =	vst v63  }
0x4e: {  	s12 =	smul.u32 $0x3, s12;
	s13 =	sshrl.u32 @!p0 s13, $0x2;
	_ =	swait.ge @!p0 [sflag:s5], $0x80  }
0x4f: {  	s21 =	sor.u32 @!p0 $0x40, s17;
	s13 =	sadd.s32 @!p0 $0x180, s13;
	[sflag:s5] =	ssyncset.done @!p0 $0x0  }
0x50: {  	s12 =	ssub.s32 s28, s12;
	s15 =	simm.s32 @!p0 $0x20;
	[sflag:s5] =	ssyncadd.s32 @!p0 $0xFFFFFF80  }
0x51: {  	[tilespmem:s13], [sflag:s31] =	stream.indirect.gather @!p0 [hbm4b:s3+s15], $0x3E8, s17, s15, $0xb8;
	[tilespmem:$0x17950] =	vst v63  }
0x52: {  	s14 =	sadd.s32 @!p0 $0x178E0, s14;
	s28 =	smov.u32 s1;
	s1 =	sand.u32 $0xFF, s12  }
0x53: {  	[tilespmem:s18], [sflag:s20] =	stream.indirect.gather @!p0 [hbm4b:s4+s15], $0x1, s19, s15, $0xb8;
	[tilespmem:$0x17950] =	vst v63  }
0x54: {  	s12 =	sadd.s32 $0x1, s1;
	s25 =	sshll.u32 s1, $0x7;
	s20 =	smul.u32 $0x1F400, s1  }
0x55: {  	[tilespmem:s14], [sflag:s0] =	stream.indirect.gather @!p0 [hbm4b:s4+s15], $0x1, s21, s15, $0xb8;
	[tilespmem:$0x17950] =	vst v63  }
0x56: {  	s18 =	sadd.s32 $0x4, s1;
	s19 =	sadd.s32 $0x7, s1;
	_ =	swait.ge [sflag:s12], $0x7D00  }
0x57: {  	s15 =	sshrl.u32 s20, $0x2;
	s20 =	sor.u32 $0x60, s25;
	[sflag:s12] =	ssyncset.done $0x0  }
0x58: {  	s0 =	sadd.s32 $0x180, s15;
	s17 =	rddreg [dreg:$0x3];
	[sflag:s12] =	ssyncadd.s32 $0xFFFF8300  }
0x59: {  	[hbm4b:s17+s11] =	stream.indirect.scatter [tilespmem:s0], [sflag:s18], $0x3E8, s20, s11, $0xb8;
	[tilespmem:$0x17950] =	vst v63  }
0x5a: {  	_ =	swait.ge [sflag:s19], $0x20  }
0x5b: {  	[sflag:s19] =	ssyncset.done $0x0  }
0x5c: {  	s21 =	sadd.s32 $0xA, s1;
	[sflag:s19] =	ssyncadd.s32 $0xFFFFFFE0  }
0x5d: {  	_ =	swait.ge [sflag:s21], $0x20  }
0x5e: {  	[sflag:s21] =	ssyncset.done $0x0  }
0x5f: {  	s25 =	sshll.u32 s1, $0x5;
	[sflag:s21] =	ssyncadd.s32 $0xFFFFFFE0  }
0x60: {  	v1 =	vld [tilespmem:s25+$0x178E0]  }
0x61: {  	v2 =	vld [tilespmem:s25+$0x17880];
	_ =	sdelay $0x1  }
0x62: {  	v3 =	vld [tilespmem:$0x17940];
	_ =	sdelay $0x2  }
0x63: {  	s30 =	sadd.s32 $0x1, s30;
	s31 =	sadd.s32 $0x2, s28;
	p0 =	sgt.u32 s28, $0x16;
	v1 =	vsub.f32 v1, v2  }
0x64: {  	p1 =	sne.s32 s30, $0x19;
	s1 =	smul.u32 @!p0 $0xAB, s31  }
.Ltmp0:
0x65: {  	v1 =	vadd.f32 v1, v3;
	(pc) =	sbr.rel @p1 .LBB2_2-.Ltmp0, $4  }
0x66: {  	_ = 	snop  }
0x67: {  	s1 =	sshrl.u32 @!p0 s1, $0x9;
	[tilespmem:$0x17940] =	vst v1  }
0x68: {  	s1 =	sand.u32 @!p0 $0x7F, s1;
	v2 =	vld [tilespmem:s25+$0x178F0]  }
0x69: {  	p2 =	seq.s32 @!p0 s28, $0x0;
	s0 =	smul.u32 @!p0 $0x3, s1;
	v3 =	vld [tilespmem:s25+$0x17890]  }
0x6a: {  	_ =	sdelay $0x3  }
0x6b: {  	v2 =	vsub.f32 v2, v3;
	_ =	sdelay $0x1  }
0x6c: {  	s0 =	ssub.s32 @!p0 s31, s0;
	v1 =	vadd.f32 v2, v1  }
0x6d: {  	p1 =	por p2, p0;
	s0 =	sand.u32 @!p0 $0xFF, s0  }
0x6e: {  	s5 =	smul.u32 $0xAB, s28;
	s1 =	sadd.s32 @!p1 $0x4, s0;
	[tilespmem:$0x17940] =	vst v1  }
0x6f: {  	s12 =	sadd.s32 $0x10, s29;
	_ =	swait.ge @!p1 [sflag:s1], $0x7D00  }
0x70: {  	s15 =	simm.s32 @!p0 $0x0;
	s5 =	sshrl.u32 s5, $0x9;
	[sflag:s1] =	ssyncset.done @!p1 $0x0  }
0x71: {  	s13 =	smul.u32 @!p0 $0x1F400, s0;
	s14 =	sshll.u32 @!p0 s0, $0x7;
	[sflag:s1] =	ssyncadd.s32 @!p1 $0xFFFF8300  }
0x72: {  	[tilespmem:s14], [sflag:$0xD] =	stream.linear.gather @!p0 [hbm4b:s12+s15], $0x80, $0x38;
	[tilespmem:$0x17950] =	vst v63  }
0x73: {  	s5 =	sand.u32 $0x7F, s5;
	s15 =	simm.s32 @!p0 $0xD  }
0x74: {  	s5 =	smul.u32 $0x3, s5;
	s13 =	sshrl.u32 @!p0 s13, $0x2;
	_ =	swait.ge @!p0 [sflag:s15], $0x80  }
0x75: {  	s13 =	sadd.s32 @!p0 $0x180, s13;
	s1 =	sadd.s32 @!p0 $0x1, s0;
	[sflag:s15] =	ssyncset.done @!p0 $0x0  }
0x76: {  	s12 =	sshll.u32 @!p0 s0, $0x5;
	[sflag:s15] =	ssyncadd.s32 @!p0 $0xFFFFFF80;
	s15 =	simm.s32 @!p0 $0x20  }
0x77: {  	[tilespmem:s13], [sflag:s1] =	stream.indirect.gather @!p0 [hbm4b:s3+s15], $0x3E8, s14, s15, $0xb8;
	[tilespmem:$0x17950] =	vst v63  }
0x78: {  	s17 =	sadd.s32 @!p0 $0x17880, s12;
	s1 =	sor.u32 @!p0 $0x20, s14;
	s13 =	sadd.s32 @!p0 $0x7, s0  }
0x79: {  	[tilespmem:s17], [sflag:s13] =	stream.indirect.gather @!p0 [hbm4b:s4+s15], $0x1, s1, s15, $0xb8;
	[tilespmem:$0x17950] =	vst v63  }
0x7a: {  	s12 =	sadd.s32 @!p0 $0x178E0, s12;
	s17 =	ssub.s32 s28, s5  }
0x7b: {  	s0 =	sadd.s32 @!p0 $0xA, s0;
	s5 =	sor.u32 @!p0 $0x40, s14;
	s1 =	sand.u32 $0xFF, s17  }
0x7c: {  	[tilespmem:s12], [sflag:s0] =	stream.indirect.gather @!p0 [hbm4b:s4+s15], $0x1, s5, s15, $0xb8;
	[tilespmem:$0x17950] =	vst v63  }
0x7d: {  	s18 =	sadd.s32 $0x1, s1;
	s19 =	smul.u32 $0x1F400, s1;
	s21 =	sshll.u32 s1, $0x7  }
0x7e: {  	s25 =	sadd.s32 $0x4, s1;
	s28 =	sadd.s32 $0x7, s1;
	_ =	swait.ge [sflag:s18], $0x7D00  }
0x7f: {  	s13 =	sor.u32 $0x60, s21;
	[sflag:s18] =	ssyncset.done $0x0;
	s5 =	sshrl.u32 s19, $0x2  }
0x80: {  	s20 =	rddreg [dreg:$0x3];
	[sflag:s18] =	ssyncadd.s32 $0xFFFF8300;
	s5 =	sadd.s32 $0x180, s5  }
0x81: {  	[hbm4b:s20+s11] =	stream.indirect.scatter [tilespmem:s5], [sflag:s25], $0x3E8, s13, s11, $0xb8;
	[tilespmem:$0x17950] =	vst v63  }
0x82: {  	_ =	swait.ge [sflag:s28], $0x20  }
0x83: {  	[sflag:s28] =	ssyncset.done $0x0  }
0x84: {  	s29 =	sadd.s32 $0xA, s1;
	[sflag:s28] =	ssyncadd.s32 $0xFFFFFFE0  }
0x85: {  	_ =	swait.ge [sflag:s29], $0x20  }
0x86: {  	[sflag:s29] =	ssyncset.done $0x0  }
0x87: {  	s30 =	sshll.u32 s1, $0x5;
	[sflag:s29] =	ssyncadd.s32 $0xFFFFFFE0  }
0x88: {  	v1 =	vld [tilespmem:s30+$0x178E0]  }
0x89: {  	v2 =	vld [tilespmem:s30+$0x17880];
	_ =	sdelay $0x1  }
0x8a: {  	v3 =	vld [tilespmem:$0x17940];
	_ =	sdelay $0x2  }
0x8b: {  	v1 =	vsub.f32 v1, v2;
	_ =	sdelay $0x1  }
0x8c: {  	v1 =	vadd.f32 v1, v3;
	_ =	sdelay $0x1  }
0x8d: {  	[tilespmem:$0x17940] =	vst v1  }
0x8e: {  	v2 =	vld [tilespmem:s30+$0x178F0]  }
0x8f: {  	v3 =	vld [tilespmem:s30+$0x17890];
	_ =	sdelay $0x4  }
0x90: {  	v2 =	vsub.f32 v2, v3;
	_ =	sdelay $0x1  }
0x91: {  	v1 =	vadd.f32 v2, v1;
	_ =	sdelay $0x1  }
0x92: {  	[tilespmem:$0x17940] =	vst v1  }
0x93: {  	_ =	swait.ge [sflag:s22], $0x7D00  }
0x94: {  	[sflag:s22] =	ssyncset.done $0x0  }
0x95: {  	[sflag:s22] =	ssyncadd.s32 $0xFFFF8300  }
0x96: {  	_ =	swait.ge [sflag:s23], $0x7D00  }
0x97: {  	[sflag:s23] =	ssyncset.done $0x0  }
0x98: {  	[sflag:s23] =	ssyncadd.s32 $0xFFFF8300  }
0x99: {  	s26 =	sadd.s32 $0x1, s26;
	_ =	swait.ge [sflag:s24], $0x7D00  }
0x9a: {  	p0 =	sne.s32 s26, s8;
	[sflag:s24] =	ssyncset.done $0x0  }
.Ltmp1:
0x9b: {  	s31 =	simm.s32 $0x17940;
	[sflag:s24] =	ssyncadd.s32 $0xFFFF8300;
	(pc) =	sbr.rel @p0 .LBB2_1-.Ltmp1, $4  }
0x9c: {  	[hbm4b:s7+s2] =	stream.linear.scatter [tilespmem:s31], [sflag:$0xD], $0x10, $0x38;
	[tilespmem:$0x17950] =	vst v63  }
0x9d: {  	_ =	swait.ge [sflag:s10], $0x10  }
0x9e: {  	[sflag:s10] =	ssyncset.done $0x0  }
0x9f: {  	[sflag:s10] =	ssyncadd.s32 $0xFFFFFFF0  }
0xa0: {  	_ =	sfence.sel $0x180000  }
0xa1: {  	[bflag:$0x0] =	sbarrier.arrive $0xFFFF  }
0xa2: {  	_ =	strace $0x90000047  }
0xa3: {  	s0 =	stileid.u32;
	[bflag:$0x2] =	sbarrier.arrive $0xFFFF  }
0xa4: {  	p0 =	sne.s32 s0, $0x0;
	s0 =	rddreg [dreg:$0x2]  }
0xa5: {  	s0 =	sadd.s32 @!p0 $0x100000, s0  }
0xa6: {  	[sflag:s0] =	ssyncadd.tile.s32 @!p0 $0x1;
	_ =	shalt  }
.Lfunc_end2:
_tile_overlayer_lowered:
.L_overlay_start_2:
0xa7: {  	(tag) =	ssettag $0x2  }
0xa8: {  	s0 =	rddreg [dreg:$0x0];
	s2 =	stileid.u32  }
0xa9: {  	s1 =	rddreg [dreg:$0x1];
	p0 =	sne.s32 s2, $0x0  }
0xaa: {  	s3 =	rddreg [dreg:$0x2];
	[bflag:$0x3] =	sbarrier.arrive $0xFFFF;
	s2 =	simm.s32 @!p0 $0x1C0D  }
0xab: {  	[timem:s3], [sflag:s2] =	dma.local @!p0 [hbm:s0], s1  }
0xac: {  	s0 =	simm.s32 @!p0 $0xD  }
0xad: {  	_ =	swait.ge @!p0 [sflag:s0], s1  }
0xae: {  	s1 =	ssub.s32 @!p0 $0x0, s1;
	[sflag:s0] =	ssyncset.done @!p0 $0x0  }
0xaf: {  	[sflag:s0] =	ssyncadd.s32 @!p0 s1  }
0xb0: {  	[bflag:$0x3] =	sbarrier.arrive $0xFFFF  }
0xb1: {  	_ =	shalt  }

</sc_bundles>
